<compile_context>
chip_gen: v7x
topology: tpu7x:2x2x1
jax: 0.10.2.dev20260603
libtpu: 0.0.44.dev20260713+nightly
codegen_flags: <defaults>
</compile_context>

<pallas_src>
import functools

import jax
import jax.numpy as jnp
from jax import lax
from jax.experimental import pallas as pl
from jax.experimental.pallas import tpu as pltpu
from jax.experimental.pallas import tpu_sc as plsc

NUM_CORES = 2
NUM_SUBCORES = 16
LANES = 16

EMB = 16
BN_EPS = 1e-3


def _sc_body(bpw, ngroups, inv_std,
             idx2_hbm, utab_hbm, ubias_hbm, itab_hbm, ibias_hbm,
             gamma_hbm, beta_hbm, out_hbm,
             idx2_v, uidx_v, iidx_v, urows_v, irows_v, ubias_v, ibias_v,
             gamma_v, beta_v, out_v, sem):
    wid = lax.axis_index("s") * NUM_CORES + lax.axis_index("c")
    base = wid * bpw

    pltpu.sync_copy(idx2_hbm.at[pl.ds(base, bpw)], idx2_v)
    pltpu.sync_copy(gamma_hbm, gamma_v)
    pltpu.sync_copy(beta_hbm, beta_v)

    lane = lax.iota(jnp.int32, LANES)
    zeros = jnp.zeros((LANES,), jnp.int32)
    ones = jnp.ones((LANES,), jnp.int32)

    def deinterleave(g, _):
        row = g * LANES + lane
        uidx_v[pl.ds(g * LANES, LANES)] = plsc.load_gather(idx2_v, [row, zeros])
        iidx_v[pl.ds(g * LANES, LANES)] = plsc.load_gather(idx2_v, [row, ones])
        return 0

    lax.fori_loop(0, ngroups, deinterleave, 0, unroll=4)

    cp_u = pltpu.make_async_copy(utab_hbm.at[uidx_v], urows_v, sem)
    cp_i = pltpu.make_async_copy(itab_hbm.at[iidx_v], irows_v, sem)
    cp_ub = pltpu.make_async_copy(ubias_hbm.at[uidx_v], ubias_v, sem)
    cp_ib = pltpu.make_async_copy(ibias_hbm.at[iidx_v], ibias_v, sem)
    cp_u.start()
    cp_i.start()
    cp_ub.start()
    cp_ib.start()
    cp_u.wait()
    cp_i.wait()
    cp_ub.wait()
    cp_ib.wait()

    scale = gamma_v[...] * inv_std
    beta_s = beta_v[...]

    def group(g, _):
        row = g * LANES + lane
        acc = ubias_v[pl.ds(g * LANES, LANES)] + ibias_v[pl.ds(g * LANES, LANES)]
        for d in range(EMB):
            col = jnp.full((LANES,), d, jnp.int32)
            uc = plsc.load_gather(urows_v, [row, col])
            ic = plsc.load_gather(irows_v, [row, col])
            acc = acc + uc * ic
        x = acc * scale + beta_s
        out_v[pl.ds(g * LANES, LANES)] = 1.0 / (1.0 + jnp.exp(-x))
        return 0

    lax.fori_loop(0, ngroups, group, 0, unroll=2)

    pltpu.sync_copy(out_v, out_hbm.at[pl.ds(base, bpw)])


def kernel(inputs, user_table, user_bias_table, item_table, item_bias_table,
           gamma, beta):
    batch = inputs.shape[0]
    nworkers = NUM_CORES * NUM_SUBCORES
    bpw = batch // nworkers
    ngroups = bpw // LANES
    inv_std = float(1.0 / (1.0 + BN_EPS) ** 0.5)

    mesh = plsc.VectorSubcoreMesh(
        core_axis_name="c", subcore_axis_name="s",
        num_cores=NUM_CORES, num_subcores=NUM_SUBCORES)

    run = pl.kernel(
        functools.partial(_sc_body, bpw, ngroups, inv_std),
        out_type=jax.ShapeDtypeStruct((batch,), jnp.float32),
        mesh=mesh,
        scratch_types=[
            pltpu.VMEM((bpw, 2), jnp.int32),
            pltpu.VMEM((bpw,), jnp.int32),
            pltpu.VMEM((bpw,), jnp.int32),
            pltpu.VMEM((bpw, EMB), jnp.float32),
            pltpu.VMEM((bpw, EMB), jnp.float32),
            pltpu.VMEM((bpw,), jnp.float32),
            pltpu.VMEM((bpw,), jnp.float32),
            pltpu.VMEM((LANES,), jnp.float32),
            pltpu.VMEM((LANES,), jnp.float32),
            pltpu.VMEM((bpw,), jnp.float32),
            pltpu.SemaphoreType.DMA,
        ],
        compiler_params=pltpu.CompilerParams(
            needs_layout_passes=False, use_tc_tiling_on_sc=False),
    )
    gamma16 = jnp.broadcast_to(gamma.astype(jnp.float32).reshape(1), (LANES,))
    beta16 = jnp.broadcast_to(beta.astype(jnp.float32).reshape(1), (LANES,))
    out = run(inputs.astype(jnp.int32), user_table,
              user_bias_table.reshape(-1), item_table,
              item_bias_table.reshape(-1), gamma16, beta16)
    return out.reshape(batch, 1)

# --- scband reference (transcript-rebuilt; emitter-appended) ---
"""Pipeline reference for scband-recommender-net2-36730560316080 (READ-ONLY COPY).

The authoritative reference and input builder live on the scoring server;
editing this copy changes nothing except your own understanding.
"""

import jax, jax.numpy as jnp
import numpy as np

NUM_USERS = 1000000
NUM_ITEMS = 1000000
EMB = 16
BATCH = 16384
BN_EPS = 1e-3


def setup_inputs(seed: int = 0) -> dict:
    key = jax.random.key(seed)
    k_idx, k_u, k_ub, k_i, k_ib = jax.random.split(key, 5)
    inputs = jax.random.randint(k_idx, (BATCH, 2), 0, NUM_USERS)
    # he_normal init for embeddings: std = sqrt(2 / fan_in) with fan_in = embedding_dim
    user_table = jax.random.normal(k_u, (NUM_USERS, EMB), dtype=jnp.float32) * np.sqrt(2.0 / EMB)
    item_table = jax.random.normal(k_i, (NUM_ITEMS, EMB), dtype=jnp.float32) * np.sqrt(2.0 / EMB)
    # bias embeddings default uniform init in keras; small random here
    user_bias_table = jax.random.uniform(k_ub, (NUM_USERS, 1), dtype=jnp.float32, minval=-0.05, maxval=0.05)
    item_bias_table = jax.random.uniform(k_ib, (NUM_ITEMS, 1), dtype=jnp.float32, minval=-0.05, maxval=0.05)
    gamma = jnp.ones((1,), dtype=jnp.float32)
    beta = jnp.zeros((1,), dtype=jnp.float32)
    return {
        "inputs": inputs,
        "user_table": user_table,
        "user_bias_table": user_bias_table,
        "item_table": item_table,
        "item_bias_table": item_bias_table,
        "gamma": gamma,
        "beta": beta,
    }


def reference(inputs, user_table, user_bias_table, item_table, item_bias_table, gamma, beta):
    user_idx = inputs[:, 0]
    item_idx = inputs[:, 1]
    user_vector = jnp.take(user_table, user_idx, axis=0)          # [B, EMB]
    user_bias = jnp.take(user_bias_table, user_idx, axis=0)       # [B, 1]
    item_vector = jnp.take(item_table, item_idx, axis=0)          # [B, EMB]
    item_bias = jnp.take(item_bias_table, item_idx, axis=0)       # [B, 1]
    dot_user_item = jnp.sum(user_vector * item_vector, axis=-1, keepdims=True)  # [B, 1]
    x = dot_user_item + user_bias + item_bias
    # dropout: identity at inference
    # batchnorm at inference with freshly-initialized stats: moving_mean=0, moving_var=1
    x = gamma * (x - 0.0) / jnp.sqrt(1.0 + BN_EPS) + beta
    return jax.nn.sigmoid(x)

if __name__ == "__main__":
    import jax
    _d = setup_inputs()
    print(jax.jit(kernel)(*tuple(_d.values())))

</pallas_src>

<mosaic_0001>
#map = affine_map<(d0, d1) -> (0, 0)>
#map1 = affine_map<(d0, d1) -> (0)>
module attributes {stable_mosaic.version = 14 : i64} {
  func.func @_sc_body(%arg0: i32, %arg1: i32, %arg2: memref<16384x2xi32, #tpu.memory_space<hbm>>, %arg3: memref<1000000x16xf32, #tpu.memory_space<hbm>>, %arg4: memref<1000000xf32, #tpu.memory_space<hbm>>, %arg5: memref<1000000x16xf32, #tpu.memory_space<hbm>>, %arg6: memref<1000000xf32, #tpu.memory_space<hbm>>, %arg7: memref<16xf32, #tpu.memory_space<hbm>>, %arg8: memref<16xf32, #tpu.memory_space<hbm>>, %arg9: memref<16384xf32, #tpu.memory_space<hbm>>, %arg10: memref<512x2xi32, #tpu.memory_space<vmem>>, %arg11: memref<512xi32, #tpu.memory_space<vmem>>, %arg12: memref<512xi32, #tpu.memory_space<vmem>>, %arg13: memref<512x16xf32, #tpu.memory_space<vmem>>, %arg14: memref<512x16xf32, #tpu.memory_space<vmem>>, %arg15: memref<512xf32, #tpu.memory_space<vmem>>, %arg16: memref<512xf32, #tpu.memory_space<vmem>>, %arg17: memref<16xf32, #tpu.memory_space<vmem>>, %arg18: memref<16xf32, #tpu.memory_space<vmem>>, %arg19: memref<512xf32, #tpu.memory_space<vmem>>, %arg20: memref<!tpu.dma_semaphore, #tpu.memory_space<semaphore_mem>>) attributes {dimension_semantics = [#tpu.dimension_semantics<core_parallel>, #tpu.dimension_semantics<subcore_parallel>], iteration_bounds = array<i64: 2, 16>, scalar_prefetch = 0 : i64, scratch_operands = 11 : i64, tpu.core_type = #tpu.core_type<sc_vector_subcore>, window_params = [{transform_indices = #map}, {transform_indices = #map}, {transform_indices = #map1}, {transform_indices = #map}, {transform_indices = #map1}, {transform_indices = #map1}, {transform_indices = #map1}, {transform_indices = #map1}]} {
    %mul3A = arith.constant 2 : i32
    %mul3A_0 = arith.muli %arg1, %mul3A : i32
    %add3A = arith.addi %mul3A_0, %arg0 : i32
    %mul3A_1 = arith.constant 512 : i32
    %mul3A_2 = arith.muli %add3A, %mul3A_1 : i32
    "tpu.region"() ({
      %run_scoped3A = tpu.sem_alloc : memref<!tpu.dma_semaphore, #tpu.memory_space<semaphore_mem>>
      %dma_start3A_43 = arith.constant 0 : i32
      %dma_start3A_44 = tpu.memref_slice %arg2[%mul3A_2, %dma_start3A_43] : memref<16384x2xi32, #tpu.memory_space<hbm>> -> memref<512x2xi32, #tpu.memory_space<hbm>>
      %dma_start3A_45 = arith.constant 0 : i32
      %dma_start3A_46 = tpu.memref_slice %arg2[%mul3A_2, %dma_start3A_45] : memref<16384x2xi32, #tpu.memory_space<hbm>> -> memref<512x2xi32, #tpu.memory_space<hbm>>
      tpu.enqueue_dma source(%dma_start3A_46 : memref<512x2xi32, #tpu.memory_space<hbm>>) target(%arg10 : memref<512x2xi32, #tpu.memory_space<vmem>>) target_semaphore(%run_scoped3A : memref<!tpu.dma_semaphore, #tpu.memory_space<semaphore_mem>>)
      %dma_wait3A_47 = arith.constant 0 : i32
      %dma_wait3A_48 = tpu.memref_slice %arg2[%mul3A_2, %dma_wait3A_47] : memref<16384x2xi32, #tpu.memory_space<hbm>> -> memref<512x2xi32, #tpu.memory_space<hbm>>
      %dma_wait3A_49 = arith.constant 0 : i32
      %dma_wait3A_50 = tpu.memref_slice %arg2[%mul3A_2, %dma_wait3A_49] : memref<16384x2xi32, #tpu.memory_space<hbm>> -> memref<512x2xi32, #tpu.memory_space<hbm>>
      tpu.wait_dma2 semaphore(%run_scoped3A : memref<!tpu.dma_semaphore, #tpu.memory_space<semaphore_mem>>) src(%dma_wait3A_50 : memref<512x2xi32, #tpu.memory_space<hbm>>) dst(%arg10 : memref<512x2xi32, #tpu.memory_space<vmem>>)
      tpu.yield
    }) : () -> ()
    "tpu.region"() ({
      %run_scoped3A = tpu.sem_alloc : memref<!tpu.dma_semaphore, #tpu.memory_space<semaphore_mem>>
      tpu.enqueue_dma source(%arg7 : memref<16xf32, #tpu.memory_space<hbm>>) target(%arg17 : memref<16xf32, #tpu.memory_space<vmem>>) target_semaphore(%run_scoped3A : memref<!tpu.dma_semaphore, #tpu.memory_space<semaphore_mem>>)
      tpu.wait_dma2 semaphore(%run_scoped3A : memref<!tpu.dma_semaphore, #tpu.memory_space<semaphore_mem>>) src(%arg7 : memref<16xf32, #tpu.memory_space<hbm>>) dst(%arg17 : memref<16xf32, #tpu.memory_space<vmem>>)
      tpu.yield
    }) : () -> ()
    "tpu.region"() ({
      %run_scoped3A = tpu.sem_alloc : memref<!tpu.dma_semaphore, #tpu.memory_space<semaphore_mem>>
      tpu.enqueue_dma source(%arg8 : memref<16xf32, #tpu.memory_space<hbm>>) target(%arg18 : memref<16xf32, #tpu.memory_space<vmem>>) target_semaphore(%run_scoped3A : memref<!tpu.dma_semaphore, #tpu.memory_space<semaphore_mem>>)
      tpu.wait_dma2 semaphore(%run_scoped3A : memref<!tpu.dma_semaphore, #tpu.memory_space<semaphore_mem>>) src(%arg8 : memref<16xf32, #tpu.memory_space<hbm>>) dst(%arg18 : memref<16xf32, #tpu.memory_space<vmem>>)
      tpu.yield
    }) : () -> ()
    %iota3A = tpu.iota {dimensions = array<i32: 0>} : vector<16xi32>
    %broadcast_in_dim3A = arith.constant 0 : i32
    %broadcast_in_dim3A_3 = vector.broadcast %broadcast_in_dim3A : i32 to vector<16xi32>
    %broadcast_in_dim3A_4 = arith.constant 1 : i32
    %broadcast_in_dim3A_5 = vector.broadcast %broadcast_in_dim3A_4 : i32 to vector<16xi32>
    %scan3A = arith.constant 0 : i32
    %scan3A_6 = arith.constant 0 : i32
    %scan3A_7 = arith.constant 32 : i32
    %scan3A_8 = arith.addi %scan3A_6, %scan3A_7 : i32
    %scan3A_9 = arith.constant 4 : i32
    %scan3A_10 = scf.for %scan3A_43 = %scan3A_6 to %scan3A_8 step %scan3A_9 iter_args(%scan3A_44 = %scan3A) -> (i32)  : i32 {
      %mul3A_45 = arith.constant 16 : i32
      %mul3A_46 = arith.muli %scan3A_43, %mul3A_45 : i32
      %add3A_47 = vector.broadcast %mul3A_46 : i32 to vector<16xi32>
      %add3A_48 = arith.addi %add3A_47, %iota3A : vector<16xi32>
      %gather3A = tpu.vector_load_idx %arg10[%add3A_48, %broadcast_in_dim3A_3] : memref<512x2xi32, #tpu.memory_space<vmem>>[vector<16xi32>, vector<16xi32>], vector<16xi32>,
      %mul3A_49 = arith.constant 16 : i32
      %mul3A_50 = arith.muli %scan3A_43, %mul3A_49 : i32
      %swap3A = arith.index_cast %mul3A_50 : i32 to index
      %swap3A_51 = tpu.vector_load %arg11[%swap3A] {strides = array<i32>} : memref<512xi32, #tpu.memory_space<vmem>>, vector<16xi32>,
      tpu.vector_store %arg11[%swap3A], %gather3A {strides = array<i32>} : memref<512xi32, #tpu.memory_space<vmem>>, vector<16xi32>,
      %gather3A_52 = tpu.vector_load_idx %arg10[%add3A_48, %broadcast_in_dim3A_5] : memref<512x2xi32, #tpu.memory_space<vmem>>[vector<16xi32>, vector<16xi32>], vector<16xi32>,
      %mul3A_53 = arith.constant 16 : i32
      %mul3A_54 = arith.muli %scan3A_43, %mul3A_53 : i32
      %swap3A_55 = arith.index_cast %mul3A_54 : i32 to index
      %swap3A_56 = tpu.vector_load %arg12[%swap3A_55] {strides = array<i32>} : memref<512xi32, #tpu.memory_space<vmem>>, vector<16xi32>,
      tpu.vector_store %arg12[%swap3A_55], %gather3A_52 {strides = array<i32>} : memref<512xi32, #tpu.memory_space<vmem>>, vector<16xi32>,
      %scan3A_57 = arith.constant 0 : i32
      %scan3A_58 = arith.constant 1 : i32
      %scan3A_59 = arith.addi %scan3A_43, %scan3A_58 : i32
      %mul3A_60 = arith.constant 16 : i32
      %mul3A_61 = arith.muli %scan3A_59, %mul3A_60 : i32
      %add3A_62 = vector.broadcast %mul3A_61 : i32 to vector<16xi32>
      %add3A_63 = arith.addi %add3A_62, %iota3A : vector<16xi32>
      %gather3A_64 = tpu.vector_load_idx %arg10[%add3A_63, %broadcast_in_dim3A_3] : memref<512x2xi32, #tpu.memory_space<vmem>>[vector<16xi32>, vector<16xi32>], vector<16xi32>,
      %mul3A_65 = arith.constant 16 : i32
      %mul3A_66 = arith.muli %scan3A_59, %mul3A_65 : i32
      %swap3A_67 = arith.index_cast %mul3A_66 : i32 to index
      %swap3A_68 = tpu.vector_load %arg11[%swap3A_67] {strides = array<i32>} : memref<512xi32, #tpu.memory_space<vmem>>, vector<16xi32>,
      tpu.vector_store %arg11[%swap3A_67], %gather3A_64 {strides = array<i32>} : memref<512xi32, #tpu.memory_space<vmem>>, vector<16xi32>,
      %gather3A_69 = tpu.vector_load_idx %arg10[%add3A_63, %broadcast_in_dim3A_5] : memref<512x2xi32, #tpu.memory_space<vmem>>[vector<16xi32>, vector<16xi32>], vector<16xi32>,
      %mul3A_70 = arith.constant 16 : i32
      %mul3A_71 = arith.muli %scan3A_59, %mul3A_70 : i32
      %swap3A_72 = arith.index_cast %mul3A_71 : i32 to index
      %swap3A_73 = tpu.vector_load %arg12[%swap3A_72] {strides = array<i32>} : memref<512xi32, #tpu.memory_space<vmem>>, vector<16xi32>,
      tpu.vector_store %arg12[%swap3A_72], %gather3A_69 {strides = array<i32>} : memref<512xi32, #tpu.memory_space<vmem>>, vector<16xi32>,
      %scan3A_74 = arith.constant 0 : i32
      %scan3A_75 = arith.constant 2 : i32
      %scan3A_76 = arith.addi %scan3A_43, %scan3A_75 : i32
      %mul3A_77 = arith.constant 16 : i32
      %mul3A_78 = arith.muli %scan3A_76, %mul3A_77 : i32
      %add3A_79 = vector.broadcast %mul3A_78 : i32 to vector<16xi32>
      %add3A_80 = arith.addi %add3A_79, %iota3A : vector<16xi32>
      %gather3A_81 = tpu.vector_load_idx %arg10[%add3A_80, %broadcast_in_dim3A_3] : memref<512x2xi32, #tpu.memory_space<vmem>>[vector<16xi32>, vector<16xi32>], vector<16xi32>,
      %mul3A_82 = arith.constant 16 : i32
      %mul3A_83 = arith.muli %scan3A_76, %mul3A_82 : i32
      %swap3A_84 = arith.index_cast %mul3A_83 : i32 to index
      %swap3A_85 = tpu.vector_load %arg11[%swap3A_84] {strides = array<i32>} : memref<512xi32, #tpu.memory_space<vmem>>, vector<16xi32>,
      tpu.vector_store %arg11[%swap3A_84], %gather3A_81 {strides = array<i32>} : memref<512xi32, #tpu.memory_space<vmem>>, vector<16xi32>,
      %gather3A_86 = tpu.vector_load_idx %arg10[%add3A_80, %broadcast_in_dim3A_5] : memref<512x2xi32, #tpu.memory_space<vmem>>[vector<16xi32>, vector<16xi32>], vector<16xi32>,
      %mul3A_87 = arith.constant 16 : i32
      %mul3A_88 = arith.muli %scan3A_76, %mul3A_87 : i32
      %swap3A_89 = arith.index_cast %mul3A_88 : i32 to index
      %swap3A_90 = tpu.vector_load %arg12[%swap3A_89] {strides = array<i32>} : memref<512xi32, #tpu.memory_space<vmem>>, vector<16xi32>,
      tpu.vector_store %arg12[%swap3A_89], %gather3A_86 {strides = array<i32>} : memref<512xi32, #tpu.memory_space<vmem>>, vector<16xi32>,
      %scan3A_91 = arith.constant 0 : i32
      %scan3A_92 = arith.constant 3 : i32
      %scan3A_93 = arith.addi %scan3A_43, %scan3A_92 : i32
      %mul3A_94 = arith.constant 16 : i32
      %mul3A_95 = arith.muli %scan3A_93, %mul3A_94 : i32
      %add3A_96 = vector.broadcast %mul3A_95 : i32 to vector<16xi32>
      %add3A_97 = arith.addi %add3A_96, %iota3A : vector<16xi32>
      %gather3A_98 = tpu.vector_load_idx %arg10[%add3A_97, %broadcast_in_dim3A_3] : memref<512x2xi32, #tpu.memory_space<vmem>>[vector<16xi32>, vector<16xi32>], vector<16xi32>,
      %mul3A_99 = arith.constant 16 : i32
      %mul3A_100 = arith.muli %scan3A_93, %mul3A_99 : i32
      %swap3A_101 = arith.index_cast %mul3A_100 : i32 to index
      %swap3A_102 = tpu.vector_load %arg11[%swap3A_101] {strides = array<i32>} : memref<512xi32, #tpu.memory_space<vmem>>, vector<16xi32>,
      tpu.vector_store %arg11[%swap3A_101], %gather3A_98 {strides = array<i32>} : memref<512xi32, #tpu.memory_space<vmem>>, vector<16xi32>,
      %gather3A_103 = tpu.vector_load_idx %arg10[%add3A_97, %broadcast_in_dim3A_5] : memref<512x2xi32, #tpu.memory_space<vmem>>[vector<16xi32>, vector<16xi32>], vector<16xi32>,
      %mul3A_104 = arith.constant 16 : i32
      %mul3A_105 = arith.muli %scan3A_93, %mul3A_104 : i32
      %swap3A_106 = arith.index_cast %mul3A_105 : i32 to index
      %swap3A_107 = tpu.vector_load %arg12[%swap3A_106] {strides = array<i32>} : memref<512xi32, #tpu.memory_space<vmem>>, vector<16xi32>,
      tpu.vector_store %arg12[%swap3A_106], %gather3A_103 {strides = array<i32>} : memref<512xi32, #tpu.memory_space<vmem>>, vector<16xi32>,
      %scan3A_108 = arith.constant 0 : i32
      scf.yield %scan3A_108 : i32
    }
    %scan3A_11 = arith.constant 32 : i32
    %dma_start3A = arith.constant 0 : i32
    %dma_start3A_12 = arith.constant 0 : i32
    %dma_start3A_13 = tpu.memref_slice %arg3[%dma_start3A, %dma_start3A_12] : memref<1000000x16xf32, #tpu.memory_space<hbm>> -> memref<1000000x16xf32, #tpu.memory_space<hbm>>
    tpu.enqueue_indirect_dma source(%dma_start3A_13 : memref<1000000x16xf32, #tpu.memory_space<hbm>>) target(%arg13 : memref<512x16xf32, #tpu.memory_space<vmem>>) offsets(%arg11 : memref<512xi32, #tpu.memory_space<vmem>>) semaphore(%arg20 : memref<!tpu.dma_semaphore, #tpu.memory_space<semaphore_mem>>)
    %dma_start3A_14 = arith.constant 0 : i32
    %dma_start3A_15 = arith.constant 0 : i32
    %dma_start3A_16 = tpu.memref_slice %arg5[%dma_start3A_14, %dma_start3A_15] : memref<1000000x16xf32, #tpu.memory_space<hbm>> -> memref<1000000x16xf32, #tpu.memory_space<hbm>>
    tpu.enqueue_indirect_dma source(%dma_start3A_16 : memref<1000000x16xf32, #tpu.memory_space<hbm>>) target(%arg14 : memref<512x16xf32, #tpu.memory_space<vmem>>) offsets(%arg12 : memref<512xi32, #tpu.memory_space<vmem>>) semaphore(%arg20 : memref<!tpu.dma_semaphore, #tpu.memory_space<semaphore_mem>>)
    %dma_start3A_17 = arith.constant 0 : i32
    %dma_start3A_18 = tpu.memref_slice %arg4[%dma_start3A_17] : memref<1000000xf32, #tpu.memory_space<hbm>> -> memref<1000000xf32, #tpu.memory_space<hbm>>
    tpu.enqueue_indirect_dma source(%dma_start3A_18 : memref<1000000xf32, #tpu.memory_space<hbm>>) target(%arg15 : memref<512xf32, #tpu.memory_space<vmem>>) offsets(%arg11 : memref<512xi32, #tpu.memory_space<vmem>>) semaphore(%arg20 : memref<!tpu.dma_semaphore, #tpu.memory_space<semaphore_mem>>)
    %dma_start3A_19 = arith.constant 0 : i32
    %dma_start3A_20 = tpu.memref_slice %arg6[%dma_start3A_19] : memref<1000000xf32, #tpu.memory_space<hbm>> -> memref<1000000xf32, #tpu.memory_space<hbm>>
    tpu.enqueue_indirect_dma source(%dma_start3A_20 : memref<1000000xf32, #tpu.memory_space<hbm>>) target(%arg16 : memref<512xf32, #tpu.memory_space<vmem>>) offsets(%arg12 : memref<512xi32, #tpu.memory_space<vmem>>) semaphore(%arg20 : memref<!tpu.dma_semaphore, #tpu.memory_space<semaphore_mem>>)
    %dma_wait3A = arith.constant 0 : i32
    %dma_wait3A_21 = arith.constant 0 : i32
    %dma_wait3A_22 = tpu.memref_slice %arg3[%dma_wait3A, %dma_wait3A_21] : memref<1000000x16xf32, #tpu.memory_space<hbm>> -> memref<1000000x16xf32, #tpu.memory_space<hbm>>
    tpu.wait_indirect_dma semaphore(%arg20 : memref<!tpu.dma_semaphore, #tpu.memory_space<semaphore_mem>>) src(%dma_wait3A_22 : memref<1000000x16xf32, #tpu.memory_space<hbm>>) dst(%arg13 : memref<512x16xf32, #tpu.memory_space<vmem>>)
    %dma_wait3A_23 = arith.constant 0 : i32
    %dma_wait3A_24 = arith.constant 0 : i32
    %dma_wait3A_25 = tpu.memref_slice %arg5[%dma_wait3A_23, %dma_wait3A_24] : memref<1000000x16xf32, #tpu.memory_space<hbm>> -> memref<1000000x16xf32, #tpu.memory_space<hbm>>
    tpu.wait_indirect_dma semaphore(%arg20 : memref<!tpu.dma_semaphore, #tpu.memory_space<semaphore_mem>>) src(%dma_wait3A_25 : memref<1000000x16xf32, #tpu.memory_space<hbm>>) dst(%arg14 : memref<512x16xf32, #tpu.memory_space<vmem>>)
    %dma_wait3A_26 = arith.constant 0 : i32
    %dma_wait3A_27 = tpu.memref_slice %arg4[%dma_wait3A_26] : memref<1000000xf32, #tpu.memory_space<hbm>> -> memref<1000000xf32, #tpu.memory_space<hbm>>
    tpu.wait_indirect_dma semaphore(%arg20 : memref<!tpu.dma_semaphore, #tpu.memory_space<semaphore_mem>>) src(%dma_wait3A_27 : memref<1000000xf32, #tpu.memory_space<hbm>>) dst(%arg15 : memref<512xf32, #tpu.memory_space<vmem>>)
    %dma_wait3A_28 = arith.constant 0 : i32
    %dma_wait3A_29 = tpu.memref_slice %arg6[%dma_wait3A_28] : memref<1000000xf32, #tpu.memory_space<hbm>> -> memref<1000000xf32, #tpu.memory_space<hbm>>
    tpu.wait_indirect_dma semaphore(%arg20 : memref<!tpu.dma_semaphore, #tpu.memory_space<semaphore_mem>>) src(%dma_wait3A_29 : memref<1000000xf32, #tpu.memory_space<hbm>>) dst(%arg16 : memref<512xf32, #tpu.memory_space<vmem>>)
    %get3A = arith.constant 0 : index
    %get3A_30 = tpu.vector_load %arg17[%get3A] {strides = array<i32>} : memref<16xf32, #tpu.memory_space<vmem>>, vector<16xf32>,
    %mul3A_31 = arith.constant 0.999500393 : f32
    %mul3A_32 = vector.broadcast %mul3A_31 : f32 to vector<16xf32>
    %mul3A_33 = arith.mulf %get3A_30, %mul3A_32 : vector<16xf32>
    %get3A_34 = arith.constant 0 : index
    %get3A_35 = tpu.vector_load %arg18[%get3A_34] {strides = array<i32>} : memref<16xf32, #tpu.memory_space<vmem>>, vector<16xf32>,
    %scan3A_36 = arith.constant 0 : i32
    %scan3A_37 = arith.constant 0 : i32
    %scan3A_38 = arith.constant 32 : i32
    %scan3A_39 = arith.addi %scan3A_37, %scan3A_38 : i32
    %scan3A_40 = arith.constant 2 : i32
    %scan3A_41 = scf.for %scan3A_43 = %scan3A_37 to %scan3A_39 step %scan3A_40 iter_args(%scan3A_44 = %scan3A_36) -> (i32)  : i32 {
      %mul3A_45 = arith.constant 16 : i32
      %mul3A_46 = arith.muli %scan3A_43, %mul3A_45 : i32
      %add3A_47 = vector.broadcast %mul3A_46 : i32 to vector<16xi32>
      %add3A_48 = arith.addi %add3A_47, %iota3A : vector<16xi32>
      %mul3A_49 = arith.constant 16 : i32
      %mul3A_50 = arith.muli %scan3A_43, %mul3A_49 : i32
      %get3A_51 = arith.index_cast %mul3A_50 : i32 to index
      %get3A_52 = tpu.vector_load %arg15[%get3A_51] {strides = array<i32>} : memref<512xf32, #tpu.memory_space<vmem>>, vector<16xf32>,
      %mul3A_53 = arith.constant 16 : i32
      %mul3A_54 = arith.muli %scan3A_43, %mul3A_53 : i32
      %get3A_55 = arith.index_cast %mul3A_54 : i32 to index
      %get3A_56 = tpu.vector_load %arg16[%get3A_55] {strides = array<i32>} : memref<512xf32, #tpu.memory_space<vmem>>, vector<16xf32>,
      %add3A_57 = arith.addf %get3A_52, %get3A_56 : vector<16xf32>
      %broadcast_in_dim3A_58 = arith.constant 0 : i32
      %broadcast_in_dim3A_59 = vector.broadcast %broadcast_in_dim3A_58 : i32 to vector<16xi32>
      %gather3A = tpu.vector_load_idx %arg13[%add3A_48, %broadcast_in_dim3A_59] : memref<512x16xf32, #tpu.memory_space<vmem>>[vector<16xi32>, vector<16xi32>], vector<16xf32>,
      %gather3A_60 = tpu.vector_load_idx %arg14[%add3A_48, %broadcast_in_dim3A_59] : memref<512x16xf32, #tpu.memory_space<vmem>>[vector<16xi32>, vector<16xi32>], vector<16xf32>,
      %mul3A_61 = arith.mulf %gather3A, %gather3A_60 : vector<16xf32>
      %add3A_62 = arith.addf %add3A_57, %mul3A_61 : vector<16xf32>
      %broadcast_in_dim3A_63 = arith.constant 1 : i32
      %broadcast_in_dim3A_64 = vector.broadcast %broadcast_in_dim3A_63 : i32 to vector<16xi32>
      %gather3A_65 = tpu.vector_load_idx %arg13[%add3A_48, %broadcast_in_dim3A_64] : memref<512x16xf32, #tpu.memory_space<vmem>>[vector<16xi32>, vector<16xi32>], vector<16xf32>,
      %gather3A_66 = tpu.vector_load_idx %arg14[%add3A_48, %broadcast_in_dim3A_64] : memref<512x16xf32, #tpu.memory_space<vmem>>[vector<16xi32>, vector<16xi32>], vector<16xf32>,
      %mul3A_67 = arith.mulf %gather3A_65, %gather3A_66 : vector<16xf32>
      %add3A_68 = arith.addf %add3A_62, %mul3A_67 : vector<16xf32>
      %broadcast_in_dim3A_69 = arith.constant 2 : i32
      %broadcast_in_dim3A_70 = vector.broadcast %broadcast_in_dim3A_69 : i32 to vector<16xi32>
      %gather3A_71 = tpu.vector_load_idx %arg13[%add3A_48, %broadcast_in_dim3A_70] : memref<512x16xf32, #tpu.memory_space<vmem>>[vector<16xi32>, vector<16xi32>], vector<16xf32>,
      %gather3A_72 = tpu.vector_load_idx %arg14[%add3A_48, %broadcast_in_dim3A_70] : memref<512x16xf32, #tpu.memory_space<vmem>>[vector<16xi32>, vector<16xi32>], vector<16xf32>,
      %mul3A_73 = arith.mulf %gather3A_71, %gather3A_72 : vector<16xf32>
      %add3A_74 = arith.addf %add3A_68, %mul3A_73 : vector<16xf32>
      %broadcast_in_dim3A_75 = arith.constant 3 : i32
      %broadcast_in_dim3A_76 = vector.broadcast %broadcast_in_dim3A_75 : i32 to vector<16xi32>
      %gather3A_77 = tpu.vector_load_idx %arg13[%add3A_48, %broadcast_in_dim3A_76] : memref<512x16xf32, #tpu.memory_space<vmem>>[vector<16xi32>, vector<16xi32>], vector<16xf32>,
      %gather3A_78 = tpu.vector_load_idx %arg14[%add3A_48, %broadcast_in_dim3A_76] : memref<512x16xf32, #tpu.memory_space<vmem>>[vector<16xi32>, vector<16xi32>], vector<16xf32>,
      %mul3A_79 = arith.mulf %gather3A_77, %gather3A_78 : vector<16xf32>
      %add3A_80 = arith.addf %add3A_74, %mul3A_79 : vector<16xf32>
      %broadcast_in_dim3A_81 = arith.constant 4 : i32
      %broadcast_in_dim3A_82 = vector.broadcast %broadcast_in_dim3A_81 : i32 to vector<16xi32>
      %gather3A_83 = tpu.vector_load_idx %arg13[%add3A_48, %broadcast_in_dim3A_82] : memref<512x16xf32, #tpu.memory_space<vmem>>[vector<16xi32>, vector<16xi32>], vector<16xf32>,
      %gather3A_84 = tpu.vector_load_idx %arg14[%add3A_48, %broadcast_in_dim3A_82] : memref<512x16xf32, #tpu.memory_space<vmem>>[vector<16xi32>, vector<16xi32>], vector<16xf32>,
      %mul3A_85 = arith.mulf %gather3A_83, %gather3A_84 : vector<16xf32>
      %add3A_86 = arith.addf %add3A_80, %mul3A_85 : vector<16xf32>
      %broadcast_in_dim3A_87 = arith.constant 5 : i32
      %broadcast_in_dim3A_88 = vector.broadcast %broadcast_in_dim3A_87 : i32 to vector<16xi32>
      %gather3A_89 = tpu.vector_load_idx %arg13[%add3A_48, %broadcast_in_dim3A_88] : memref<512x16xf32, #tpu.memory_space<vmem>>[vector<16xi32>, vector<16xi32>], vector<16xf32>,
      %gather3A_90 = tpu.vector_load_idx %arg14[%add3A_48, %broadcast_in_dim3A_88] : memref<512x16xf32, #tpu.memory_space<vmem>>[vector<16xi32>, vector<16xi32>], vector<16xf32>,
      %mul3A_91 = arith.mulf %gather3A_89, %gather3A_90 : vector<16xf32>
      %add3A_92 = arith.addf %add3A_86, %mul3A_91 : vector<16xf32>
      %broadcast_in_dim3A_93 = arith.constant 6 : i32
      %broadcast_in_dim3A_94 = vector.broadcast %broadcast_in_dim3A_93 : i32 to vector<16xi32>
      %gather3A_95 = tpu.vector_load_idx %arg13[%add3A_48, %broadcast_in_dim3A_94] : memref<512x16xf32, #tpu.memory_space<vmem>>[vector<16xi32>, vector<16xi32>], vector<16xf32>,
      %gather3A_96 = tpu.vector_load_idx %arg14[%add3A_48, %broadcast_in_dim3A_94] : memref<512x16xf32, #tpu.memory_space<vmem>>[vector<16xi32>, vector<16xi32>], vector<16xf32>,
      %mul3A_97 = arith.mulf %gather3A_95, %gather3A_96 : vector<16xf32>
      %add3A_98 = arith.addf %add3A_92, %mul3A_97 : vector<16xf32>
      %broadcast_in_dim3A_99 = arith.constant 7 : i32
      %broadcast_in_dim3A_100 = vector.broadcast %broadcast_in_dim3A_99 : i32 to vector<16xi32>
      %gather3A_101 = tpu.vector_load_idx %arg13[%add3A_48, %broadcast_in_dim3A_100] : memref<512x16xf32, #tpu.memory_space<vmem>>[vector<16xi32>, vector<16xi32>], vector<16xf32>,
      %gather3A_102 = tpu.vector_load_idx %arg14[%add3A_48, %broadcast_in_dim3A_100] : memref<512x16xf32, #tpu.memory_space<vmem>>[vector<16xi32>, vector<16xi32>], vector<16xf32>,
      %mul3A_103 = arith.mulf %gather3A_101, %gather3A_102 : vector<16xf32>
      %add3A_104 = arith.addf %add3A_98, %mul3A_103 : vector<16xf32>
      %broadcast_in_dim3A_105 = arith.constant 8 : i32
      %broadcast_in_dim3A_106 = vector.broadcast %broadcast_in_dim3A_105 : i32 to vector<16xi32>
      %gather3A_107 = tpu.vector_load_idx %arg13[%add3A_48, %broadcast_in_dim3A_106] : memref<512x16xf32, #tpu.memory_space<vmem>>[vector<16xi32>, vector<16xi32>], vector<16xf32>,
      %gather3A_108 = tpu.vector_load_idx %arg14[%add3A_48, %broadcast_in_dim3A_106] : memref<512x16xf32, #tpu.memory_space<vmem>>[vector<16xi32>, vector<16xi32>], vector<16xf32>,
      %mul3A_109 = arith.mulf %gather3A_107, %gather3A_108 : vector<16xf32>
      %add3A_110 = arith.addf %add3A_104, %mul3A_109 : vector<16xf32>
      %broadcast_in_dim3A_111 = arith.constant 9 : i32
      %broadcast_in_dim3A_112 = vector.broadcast %broadcast_in_dim3A_111 : i32 to vector<16xi32>
      %gather3A_113 = tpu.vector_load_idx %arg13[%add3A_48, %broadcast_in_dim3A_112] : memref<512x16xf32, #tpu.memory_space<vmem>>[vector<16xi32>, vector<16xi32>], vector<16xf32>,
      %gather3A_114 = tpu.vector_load_idx %arg14[%add3A_48, %broadcast_in_dim3A_112] : memref<512x16xf32, #tpu.memory_space<vmem>>[vector<16xi32>, vector<16xi32>], vector<16xf32>,
      %mul3A_115 = arith.mulf %gather3A_113, %gather3A_114 : vector<16xf32>
      %add3A_116 = arith.addf %add3A_110, %mul3A_115 : vector<16xf32>
      %broadcast_in_dim3A_117 = arith.constant 10 : i32
      %broadcast_in_dim3A_118 = vector.broadcast %broadcast_in_dim3A_117 : i32 to vector<16xi32>
      %gather3A_119 = tpu.vector_load_idx %arg13[%add3A_48, %broadcast_in_dim3A_118] : memref<512x16xf32, #tpu.memory_space<vmem>>[vector<16xi32>, vector<16xi32>], vector<16xf32>,
      %gather3A_120 = tpu.vector_load_idx %arg14[%add3A_48, %broadcast_in_dim3A_118] : memref<512x16xf32, #tpu.memory_space<vmem>>[vector<16xi32>, vector<16xi32>], vector<16xf32>,
      %mul3A_121 = arith.mulf %gather3A_119, %gather3A_120 : vector<16xf32>
      %add3A_122 = arith.addf %add3A_116, %mul3A_121 : vector<16xf32>
      %broadcast_in_dim3A_123 = arith.constant 11 : i32
      %broadcast_in_dim3A_124 = vector.broadcast %broadcast_in_dim3A_123 : i32 to vector<16xi32>
      %gather3A_125 = tpu.vector_load_idx %arg13[%add3A_48, %broadcast_in_dim3A_124] : memref<512x16xf32, #tpu.memory_space<vmem>>[vector<16xi32>, vector<16xi32>], vector<16xf32>,
      %gather3A_126 = tpu.vector_load_idx %arg14[%add3A_48, %broadcast_in_dim3A_124] : memref<512x16xf32, #tpu.memory_space<vmem>>[vector<16xi32>, vector<16xi32>], vector<16xf32>,
      %mul3A_127 = arith.mulf %gather3A_125, %gather3A_126 : vector<16xf32>
      %add3A_128 = arith.addf %add3A_122, %mul3A_127 : vector<16xf32>
      %broadcast_in_dim3A_129 = arith.constant 12 : i32
      %broadcast_in_dim3A_130 = vector.broadcast %broadcast_in_dim3A_129 : i32 to vector<16xi32>
      %gather3A_131 = tpu.vector_load_idx %arg13[%add3A_48, %broadcast_in_dim3A_130] : memref<512x16xf32, #tpu.memory_space<vmem>>[vector<16xi32>, vector<16xi32>], vector<16xf32>,
      %gather3A_132 = tpu.vector_load_idx %arg14[%add3A_48, %broadcast_in_dim3A_130] : memref<512x16xf32, #tpu.memory_space<vmem>>[vector<16xi32>, vector<16xi32>], vector<16xf32>,
      %mul3A_133 = arith.mulf %gather3A_131, %gather3A_132 : vector<16xf32>
      %add3A_134 = arith.addf %add3A_128, %mul3A_133 : vector<16xf32>
      %broadcast_in_dim3A_135 = arith.constant 13 : i32
      %broadcast_in_dim3A_136 = vector.broadcast %broadcast_in_dim3A_135 : i32 to vector<16xi32>
      %gather3A_137 = tpu.vector_load_idx %arg13[%add3A_48, %broadcast_in_dim3A_136] : memref<512x16xf32, #tpu.memory_space<vmem>>[vector<16xi32>, vector<16xi32>], vector<16xf32>,
      %gather3A_138 = tpu.vector_load_idx %arg14[%add3A_48, %broadcast_in_dim3A_136] : memref<512x16xf32, #tpu.memory_space<vmem>>[vector<16xi32>, vector<16xi32>], vector<16xf32>,
      %mul3A_139 = arith.mulf %gather3A_137, %gather3A_138 : vector<16xf32>
      %add3A_140 = arith.addf %add3A_134, %mul3A_139 : vector<16xf32>
      %broadcast_in_dim3A_141 = arith.constant 14 : i32
      %broadcast_in_dim3A_142 = vector.broadcast %broadcast_in_dim3A_141 : i32 to vector<16xi32>
      %gather3A_143 = tpu.vector_load_idx %arg13[%add3A_48, %broadcast_in_dim3A_142] : memref<512x16xf32, #tpu.memory_space<vmem>>[vector<16xi32>, vector<16xi32>], vector<16xf32>,
      %gather3A_144 = tpu.vector_load_idx %arg14[%add3A_48, %broadcast_in_dim3A_142] : memref<512x16xf32, #tpu.memory_space<vmem>>[vector<16xi32>, vector<16xi32>], vector<16xf32>,
      %mul3A_145 = arith.mulf %gather3A_143, %gather3A_144 : vector<16xf32>
      %add3A_146 = arith.addf %add3A_140, %mul3A_145 : vector<16xf32>
      %broadcast_in_dim3A_147 = arith.constant 15 : i32
      %broadcast_in_dim3A_148 = vector.broadcast %broadcast_in_dim3A_147 : i32 to vector<16xi32>
      %gather3A_149 = tpu.vector_load_idx %arg13[%add3A_48, %broadcast_in_dim3A_148] : memref<512x16xf32, #tpu.memory_space<vmem>>[vector<16xi32>, vector<16xi32>], vector<16xf32>,
      %gather3A_150 = tpu.vector_load_idx %arg14[%add3A_48, %broadcast_in_dim3A_148] : memref<512x16xf32, #tpu.memory_space<vmem>>[vector<16xi32>, vector<16xi32>], vector<16xf32>,
      %mul3A_151 = arith.mulf %gather3A_149, %gather3A_150 : vector<16xf32>
      %add3A_152 = arith.addf %add3A_146, %mul3A_151 : vector<16xf32>
      %mul3A_153 = arith.mulf %add3A_152, %mul3A_33 : vector<16xf32>
      %add3A_154 = arith.addf %mul3A_153, %get3A_35 : vector<16xf32>
      %neg3A = arith.constant 0.000000e+00 : f32
      %neg3A_155 = vector.broadcast %neg3A : f32 to vector<16xf32>
      %neg3A_156 = arith.subf %neg3A_155, %add3A_154 : vector<16xf32>
      %exp3A = math.exp %neg3A_156 : vector<16xf32>
      %add3A_157 = arith.constant 1.000000e+00 : f32
      %add3A_158 = vector.broadcast %add3A_157 : f32 to vector<16xf32>
      %add3A_159 = arith.addf %add3A_158, %exp3A : vector<16xf32>
      %div3A = arith.constant 1.000000e+00 : f32
      %div3A_160 = vector.broadcast %div3A : f32 to vector<16xf32>
      %div3A_161 = arith.divf %div3A_160, %add3A_159 : vector<16xf32>
      %mul3A_162 = arith.constant 16 : i32
      %mul3A_163 = arith.muli %scan3A_43, %mul3A_162 : i32
      %swap3A = arith.index_cast %mul3A_163 : i32 to index
      %swap3A_164 = tpu.vector_load %arg19[%swap3A] {strides = array<i32>} : memref<512xf32, #tpu.memory_space<vmem>>, vector<16xf32>,
      tpu.vector_store %arg19[%swap3A], %div3A_161 {strides = array<i32>} : memref<512xf32, #tpu.memory_space<vmem>>, vector<16xf32>,
      %scan3A_165 = arith.constant 0 : i32
      %scan3A_166 = arith.constant 1 : i32
      %scan3A_167 = arith.addi %scan3A_43, %scan3A_166 : i32
      %mul3A_168 = arith.constant 16 : i32
      %mul3A_169 = arith.muli %scan3A_167, %mul3A_168 : i32
      %add3A_170 = vector.broadcast %mul3A_169 : i32 to vector<16xi32>
      %add3A_171 = arith.addi %add3A_170, %iota3A : vector<16xi32>
      %mul3A_172 = arith.constant 16 : i32
      %mul3A_173 = arith.muli %scan3A_167, %mul3A_172 : i32
      %get3A_174 = arith.index_cast %mul3A_173 : i32 to index
      %get3A_175 = tpu.vector_load %arg15[%get3A_174] {strides = array<i32>} : memref<512xf32, #tpu.memory_space<vmem>>, vector<16xf32>,
      %mul3A_176 = arith.constant 16 : i32
      %mul3A_177 = arith.muli %scan3A_167, %mul3A_176 : i32
      %get3A_178 = arith.index_cast %mul3A_177 : i32 to index
      %get3A_179 = tpu.vector_load %arg16[%get3A_178] {strides = array<i32>} : memref<512xf32, #tpu.memory_space<vmem>>, vector<16xf32>,
      %add3A_180 = arith.addf %get3A_175, %get3A_179 : vector<16xf32>
      %broadcast_in_dim3A_181 = arith.constant 0 : i32
      %broadcast_in_dim3A_182 = vector.broadcast %broadcast_in_dim3A_181 : i32 to vector<16xi32>
      %gather3A_183 = tpu.vector_load_idx %arg13[%add3A_171, %broadcast_in_dim3A_182] : memref<512x16xf32, #tpu.memory_space<vmem>>[vector<16xi32>, vector<16xi32>], vector<16xf32>,
      %gather3A_184 = tpu.vector_load_idx %arg14[%add3A_171, %broadcast_in_dim3A_182] : memref<512x16xf32, #tpu.memory_space<vmem>>[vector<16xi32>, vector<16xi32>], vector<16xf32>,
      %mul3A_185 = arith.mulf %gather3A_183, %gather3A_184 : vector<16xf32>
      %add3A_186 = arith.addf %add3A_180, %mul3A_185 : vector<16xf32>
      %broadcast_in_dim3A_187 = arith.constant 1 : i32
      %broadcast_in_dim3A_188 = vector.broadcast %broadcast_in_dim3A_187 : i32 to vector<16xi32>
      %gather3A_189 = tpu.vector_load_idx %arg13[%add3A_171, %broadcast_in_dim3A_188] : memref<512x16xf32, #tpu.memory_space<vmem>>[vector<16xi32>, vector<16xi32>], vector<16xf32>,
      %gather3A_190 = tpu.vector_load_idx %arg14[%add3A_171, %broadcast_in_dim3A_188] : memref<512x16xf32, #tpu.memory_space<vmem>>[vector<16xi32>, vector<16xi32>], vector<16xf32>,
      %mul3A_191 = arith.mulf %gather3A_189, %gather3A_190 : vector<16xf32>
      %add3A_192 = arith.addf %add3A_186, %mul3A_191 : vector<16xf32>
      %broadcast_in_dim3A_193 = arith.constant 2 : i32
      %broadcast_in_dim3A_194 = vector.broadcast %broadcast_in_dim3A_193 : i32 to vector<16xi32>
      %gather3A_195 = tpu.vector_load_idx %arg13[%add3A_171, %broadcast_in_dim3A_194] : memref<512x16xf32, #tpu.memory_space<vmem>>[vector<16xi32>, vector<16xi32>], vector<16xf32>,
      %gather3A_196 = tpu.vector_load_idx %arg14[%add3A_171, %broadcast_in_dim3A_194] : memref<512x16xf32, #tpu.memory_space<vmem>>[vector<16xi32>, vector<16xi32>], vector<16xf32>,
      %mul3A_197 = arith.mulf %gather3A_195, %gather3A_196 : vector<16xf32>
      %add3A_198 = arith.addf %add3A_192, %mul3A_197 : vector<16xf32>
      %broadcast_in_dim3A_199 = arith.constant 3 : i32
      %broadcast_in_dim3A_200 = vector.broadcast %broadcast_in_dim3A_199 : i32 to vector<16xi32>
      %gather3A_201 = tpu.vector_load_idx %arg13[%add3A_171, %broadcast_in_dim3A_200] : memref<512x16xf32, #tpu.memory_space<vmem>>[vector<16xi32>, vector<16xi32>], vector<16xf32>,
      %gather3A_202 = tpu.vector_load_idx %arg14[%add3A_171, %broadcast_in_dim3A_200] : memref<512x16xf32, #tpu.memory_space<vmem>>[vector<16xi32>, vector<16xi32>], vector<16xf32>,
      %mul3A_203 = arith.mulf %gather3A_201, %gather3A_202 : vector<16xf32>
      %add3A_204 = arith.addf %add3A_198, %mul3A_203 : vector<16xf32>
      %broadcast_in_dim3A_205 = arith.constant 4 : i32
      %broadcast_in_dim3A_206 = vector.broadcast %broadcast_in_dim3A_205 : i32 to vector<16xi32>
      %gather3A_207 = tpu.vector_load_idx %arg13[%add3A_171, %broadcast_in_dim3A_206] : memref<512x16xf32, #tpu.memory_space<vmem>>[vector<16xi32>, vector<16xi32>], vector<16xf32>,
      %gather3A_208 = tpu.vector_load_idx %arg14[%add3A_171, %broadcast_in_dim3A_206] : memref<512x16xf32, #tpu.memory_space<vmem>>[vector<16xi32>, vector<16xi32>], vector<16xf32>,
      %mul3A_209 = arith.mulf %gather3A_207, %gather3A_208 : vector<16xf32>
      %add3A_210 = arith.addf %add3A_204, %mul3A_209 : vector<16xf32>
      %broadcast_in_dim3A_211 = arith.constant 5 : i32
      %broadcast_in_dim3A_212 = vector.broadcast %broadcast_in_dim3A_211 : i32 to vector<16xi32>
      %gather3A_213 = tpu.vector_load_idx %arg13[%add3A_171, %broadcast_in_dim3A_212] : memref<512x16xf32, #tpu.memory_space<vmem>>[vector<16xi32>, vector<16xi32>], vector<16xf32>,
      %gather3A_214 = tpu.vector_load_idx %arg14[%add3A_171, %broadcast_in_dim3A_212] : memref<512x16xf32, #tpu.memory_space<vmem>>[vector<16xi32>, vector<16xi32>], vector<16xf32>,
      %mul3A_215 = arith.mulf %gather3A_213, %gather3A_214 : vector<16xf32>
      %add3A_216 = arith.addf %add3A_210, %mul3A_215 : vector<16xf32>
      %broadcast_in_dim3A_217 = arith.constant 6 : i32
      %broadcast_in_dim3A_218 = vector.broadcast %broadcast_in_dim3A_217 : i32 to vector<16xi32>
      %gather3A_219 = tpu.vector_load_idx %arg13[%add3A_171, %broadcast_in_dim3A_218] : memref<512x16xf32, #tpu.memory_space<vmem>>[vector<16xi32>, vector<16xi32>], vector<16xf32>,
      %gather3A_220 = tpu.vector_load_idx %arg14[%add3A_171, %broadcast_in_dim3A_218] : memref<512x16xf32, #tpu.memory_space<vmem>>[vector<16xi32>, vector<16xi32>], vector<16xf32>,
      %mul3A_221 = arith.mulf %gather3A_219, %gather3A_220 : vector<16xf32>
      %add3A_222 = arith.addf %add3A_216, %mul3A_221 : vector<16xf32>
      %broadcast_in_dim3A_223 = arith.constant 7 : i32
      %broadcast_in_dim3A_224 = vector.broadcast %broadcast_in_dim3A_223 : i32 to vector<16xi32>
      %gather3A_225 = tpu.vector_load_idx %arg13[%add3A_171, %broadcast_in_dim3A_224] : memref<512x16xf32, #tpu.memory_space<vmem>>[vector<16xi32>, vector<16xi32>], vector<16xf32>,
      %gather3A_226 = tpu.vector_load_idx %arg14[%add3A_171, %broadcast_in_dim3A_224] : memref<512x16xf32, #tpu.memory_space<vmem>>[vector<16xi32>, vector<16xi32>], vector<16xf32>,
      %mul3A_227 = arith.mulf %gather3A_225, %gather3A_226 : vector<16xf32>
      %add3A_228 = arith.addf %add3A_222, %mul3A_227 : vector<16xf32>
      %broadcast_in_dim3A_229 = arith.constant 8 : i32
      %broadcast_in_dim3A_230 = vector.broadcast %broadcast_in_dim3A_229 : i32 to vector<16xi32>
      %gather3A_231 = tpu.vector_load_idx %arg13[%add3A_171, %broadcast_in_dim3A_230] : memref<512x16xf32, #tpu.memory_space<vmem>>[vector<16xi32>, vector<16xi32>], vector<16xf32>,
      %gather3A_232 = tpu.vector_load_idx %arg14[%add3A_171, %broadcast_in_dim3A_230] : memref<512x16xf32, #tpu.memory_space<vmem>>[vector<16xi32>, vector<16xi32>], vector<16xf32>,
      %mul3A_233 = arith.mulf %gather3A_231, %gather3A_232 : vector<16xf32>
      %add3A_234 = arith.addf %add3A_228, %mul3A_233 : vector<16xf32>
      %broadcast_in_dim3A_235 = arith.constant 9 : i32
      %broadcast_in_dim3A_236 = vector.broadcast %broadcast_in_dim3A_235 : i32 to vector<16xi32>
      %gather3A_237 = tpu.vector_load_idx %arg13[%add3A_171, %broadcast_in_dim3A_236] : memref<512x16xf32, #tpu.memory_space<vmem>>[vector<16xi32>, vector<16xi32>], vector<16xf32>,
      %gather3A_238 = tpu.vector_load_idx %arg14[%add3A_171, %broadcast_in_dim3A_236] : memref<512x16xf32, #tpu.memory_space<vmem>>[vector<16xi32>, vector<16xi32>], vector<16xf32>,
      %mul3A_239 = arith.mulf %gather3A_237, %gather3A_238 : vector<16xf32>
      %add3A_240 = arith.addf %add3A_234, %mul3A_239 : vector<16xf32>
      %broadcast_in_dim3A_241 = arith.constant 10 : i32
      %broadcast_in_dim3A_242 = vector.broadcast %broadcast_in_dim3A_241 : i32 to vector<16xi32>
      %gather3A_243 = tpu.vector_load_idx %arg13[%add3A_171, %broadcast_in_dim3A_242] : memref<512x16xf32, #tpu.memory_space<vmem>>[vector<16xi32>, vector<16xi32>], vector<16xf32>,
      %gather3A_244 = tpu.vector_load_idx %arg14[%add3A_171, %broadcast_in_dim3A_242] : memref<512x16xf32, #tpu.memory_space<vmem>>[vector<16xi32>, vector<16xi32>], vector<16xf32>,
      %mul3A_245 = arith.mulf %gather3A_243, %gather3A_244 : vector<16xf32>
      %add3A_246 = arith.addf %add3A_240, %mul3A_245 : vector<16xf32>
      %broadcast_in_dim3A_247 = arith.constant 11 : i32
      %broadcast_in_dim3A_248 = vector.broadcast %broadcast_in_dim3A_247 : i32 to vector<16xi32>
      %gather3A_249 = tpu.vector_load_idx %arg13[%add3A_171, %broadcast_in_dim3A_248] : memref<512x16xf32, #tpu.memory_space<vmem>>[vector<16xi32>, vector<16xi32>], vector<16xf32>,
      %gather3A_250 = tpu.vector_load_idx %arg14[%add3A_171, %broadcast_in_dim3A_248] : memref<512x16xf32, #tpu.memory_space<vmem>>[vector<16xi32>, vector<16xi32>], vector<16xf32>,
      %mul3A_251 = arith.mulf %gather3A_249, %gather3A_250 : vector<16xf32>
      %add3A_252 = arith.addf %add3A_246, %mul3A_251 : vector<16xf32>
      %broadcast_in_dim3A_253 = arith.constant 12 : i32
      %broadcast_in_dim3A_254 = vector.broadcast %broadcast_in_dim3A_253 : i32 to vector<16xi32>
      %gather3A_255 = tpu.vector_load_idx %arg13[%add3A_171, %broadcast_in_dim3A_254] : memref<512x16xf32, #tpu.memory_space<vmem>>[vector<16xi32>, vector<16xi32>], vector<16xf32>,
      %gather3A_256 = tpu.vector_load_idx %arg14[%add3A_171, %broadcast_in_dim3A_254] : memref<512x16xf32, #tpu.memory_space<vmem>>[vector<16xi32>, vector<16xi32>], vector<16xf32>,
      %mul3A_257 = arith.mulf %gather3A_255, %gather3A_256 : vector<16xf32>
      %add3A_258 = arith.addf %add3A_252, %mul3A_257 : vector<16xf32>
      %broadcast_in_dim3A_259 = arith.constant 13 : i32
      %broadcast_in_dim3A_260 = vector.broadcast %broadcast_in_dim3A_259 : i32 to vector<16xi32>
      %gather3A_261 = tpu.vector_load_idx %arg13[%add3A_171, %broadcast_in_dim3A_260] : memref<512x16xf32, #tpu.memory_space<vmem>>[vector<16xi32>, vector<16xi32>], vector<16xf32>,
      %gather3A_262 = tpu.vector_load_idx %arg14[%add3A_171, %broadcast_in_dim3A_260] : memref<512x16xf32, #tpu.memory_space<vmem>>[vector<16xi32>, vector<16xi32>], vector<16xf32>,
      %mul3A_263 = arith.mulf %gather3A_261, %gather3A_262 : vector<16xf32>
      %add3A_264 = arith.addf %add3A_258, %mul3A_263 : vector<16xf32>
      %broadcast_in_dim3A_265 = arith.constant 14 : i32
      %broadcast_in_dim3A_266 = vector.broadcast %broadcast_in_dim3A_265 : i32 to vector<16xi32>
      %gather3A_267 = tpu.vector_load_idx %arg13[%add3A_171, %broadcast_in_dim3A_266] : memref<512x16xf32, #tpu.memory_space<vmem>>[vector<16xi32>, vector<16xi32>], vector<16xf32>,
      %gather3A_268 = tpu.vector_load_idx %arg14[%add3A_171, %broadcast_in_dim3A_266] : memref<512x16xf32, #tpu.memory_space<vmem>>[vector<16xi32>, vector<16xi32>], vector<16xf32>,
      %mul3A_269 = arith.mulf %gather3A_267, %gather3A_268 : vector<16xf32>
      %add3A_270 = arith.addf %add3A_264, %mul3A_269 : vector<16xf32>
      %broadcast_in_dim3A_271 = arith.constant 15 : i32
      %broadcast_in_dim3A_272 = vector.broadcast %broadcast_in_dim3A_271 : i32 to vector<16xi32>
      %gather3A_273 = tpu.vector_load_idx %arg13[%add3A_171, %broadcast_in_dim3A_272] : memref<512x16xf32, #tpu.memory_space<vmem>>[vector<16xi32>, vector<16xi32>], vector<16xf32>,
      %gather3A_274 = tpu.vector_load_idx %arg14[%add3A_171, %broadcast_in_dim3A_272] : memref<512x16xf32, #tpu.memory_space<vmem>>[vector<16xi32>, vector<16xi32>], vector<16xf32>,
      %mul3A_275 = arith.mulf %gather3A_273, %gather3A_274 : vector<16xf32>
      %add3A_276 = arith.addf %add3A_270, %mul3A_275 : vector<16xf32>
      %mul3A_277 = arith.mulf %add3A_276, %mul3A_33 : vector<16xf32>
      %add3A_278 = arith.addf %mul3A_277, %get3A_35 : vector<16xf32>
      %neg3A_279 = arith.constant 0.000000e+00 : f32
      %neg3A_280 = vector.broadcast %neg3A_279 : f32 to vector<16xf32>
      %neg3A_281 = arith.subf %neg3A_280, %add3A_278 : vector<16xf32>
      %exp3A_282 = math.exp %neg3A_281 : vector<16xf32>
      %add3A_283 = arith.constant 1.000000e+00 : f32
      %add3A_284 = vector.broadcast %add3A_283 : f32 to vector<16xf32>
      %add3A_285 = arith.addf %add3A_284, %exp3A_282 : vector<16xf32>
      %div3A_286 = arith.constant 1.000000e+00 : f32
      %div3A_287 = vector.broadcast %div3A_286 : f32 to vector<16xf32>
      %div3A_288 = arith.divf %div3A_287, %add3A_285 : vector<16xf32>
      %mul3A_289 = arith.constant 16 : i32
      %mul3A_290 = arith.muli %scan3A_167, %mul3A_289 : i32
      %swap3A_291 = arith.index_cast %mul3A_290 : i32 to index
      %swap3A_292 = tpu.vector_load %arg19[%swap3A_291] {strides = array<i32>} : memref<512xf32, #tpu.memory_space<vmem>>, vector<16xf32>,
      tpu.vector_store %arg19[%swap3A_291], %div3A_288 {strides = array<i32>} : memref<512xf32, #tpu.memory_space<vmem>>, vector<16xf32>,
      %scan3A_293 = arith.constant 0 : i32
      scf.yield %scan3A_293 : i32
    }
    %scan3A_42 = arith.constant 32 : i32
    "tpu.region"() ({
      %run_scoped3A = tpu.sem_alloc : memref<!tpu.dma_semaphore, #tpu.memory_space<semaphore_mem>>
      %dma_start3A_43 = tpu.memref_slice %arg9[%mul3A_2] : memref<16384xf32, #tpu.memory_space<hbm>> -> memref<512xf32, #tpu.memory_space<hbm>>
      %dma_start3A_44 = tpu.memref_slice %arg9[%mul3A_2] : memref<16384xf32, #tpu.memory_space<hbm>> -> memref<512xf32, #tpu.memory_space<hbm>>
      tpu.enqueue_dma source(%arg19 : memref<512xf32, #tpu.memory_space<vmem>>) target(%dma_start3A_44 : memref<512xf32, #tpu.memory_space<hbm>>) target_semaphore(%run_scoped3A : memref<!tpu.dma_semaphore, #tpu.memory_space<semaphore_mem>>)
      %dma_wait3A_45 = tpu.memref_slice %arg9[%mul3A_2] : memref<16384xf32, #tpu.memory_space<hbm>> -> memref<512xf32, #tpu.memory_space<hbm>>
      %dma_wait3A_46 = tpu.memref_slice %arg9[%mul3A_2] : memref<16384xf32, #tpu.memory_space<hbm>> -> memref<512xf32, #tpu.memory_space<hbm>>
      tpu.wait_dma2 semaphore(%run_scoped3A : memref<!tpu.dma_semaphore, #tpu.memory_space<semaphore_mem>>) src(%arg19 : memref<512xf32, #tpu.memory_space<vmem>>) dst(%dma_wait3A_46 : memref<512xf32, #tpu.memory_space<hbm>>)
      tpu.yield
    }) : () -> ()
    return
  }
}

</mosaic_0001>

<sc_bundles>
// kernel: kernel.3.cloned.1.call-start
scs
__scs_entry_jumppad:
0x0: {  	(pc) =	sbr.rel $0x88, $3  }
0x1: {  	(tag) =	ssettag $0x0;
	lr =	simm.s32 $0x1  }
0x2: {  	[smem:$0x3F9A] =	sst lr;
	_ =	strace $0xD0000000  }
0x3: {  	_ = 	snop  }
0x4: {  	_ = 	snop  }
0x5: {  	_ = 	snop  }
0x6: {  	_ = 	snop  }
0x7: {  	_ = 	snop  }
__scs_overlays_trampoline_lowered:
0x8: {  	[smem:$0x3FA9] =	sst s0  }
0x9: {  	[smem:$0x3FAA] =	sst s1  }
0xa: {  	[smem:$0x3FAB] =	sst s2  }
0xb: {  	[smem:$0x3FAC] =	sst s3  }
0xc: {  	[smem:$0x3FAD] =	sst s4  }
0xd: {  	[smem:$0x3FAE] =	sst s5  }
0xe: {  	[smem:$0x3FAF] =	sst s6  }
0xf: {  	[smem:$0x3FB0] =	sst s7  }
0x10: {  	[smem:$0x3FB1] =	sst s8  }
0x11: {  	[smem:$0x3FB2] =	sst s9;
	s0 =	simm.s32 @!p0 $0x0  }
0x12: {  	s1 =	sld [smem:$0x3F98];
	s0 =	simm.s32 @p0 $0x1  }
0x13: {  	[smem:$0x3FB3] =	sst s0;
	s0 =	simm.s32 @!p1 $0x0  }
0x14: {  	s2 =	sld [smem:$0x3F97];
	s0 =	simm.s32 @p1 $0x1  }
0x15: {  	[smem:$0x3FB4] =	sst s0;
	s0 =	simm.s32 @!p2 $0x0  }
0x16: {  	s3 =	sld [smem:$0x3FDB];
	s0 =	simm.s32 @p2 $0x1  }
0x17: {  	s4 =	simm.s32 $0x1BF5;
	[smem:$0x3FB6] =	sst s0  }
0x18: {  	s0 =	sld [smem:$0x3F99];
	_ =	swait.ge [sflag:s4], $0x0  }
0x19: {  	s7 =	sld [smem:$0x3F9A]  }
0x1a: {  	s8 =	sadd.s32 $0xFFFFE003, lr  }
0x1b: {  	s9 =	sadd.s32 $0xFFFFFEF7, lr;
	s5 =	simm.s32 $0xFFFFFFFF;
	p2 =	slt.u32 s8, $0xFFFFF086  }
0x1c: {  	p1 =	slt.u32 s9, $0xF7A;
	s5 =	simm.s32 @!p2 $0x0  }
0x1d: {  	s5 =	simm.s32 @p1 $0x1;
	p0 =	seq.s32 s7, s2  }
0x1e: {  	s7 =	smul.u32 @!p0 $0xF7A, s2;
	p2 =	seq.s32 @!p0 s5, $0x0  }
0x1f: {  	s9 =	smul.u32 $0xF7A, s1;
	s8 =	simm.s32 @!p0 $0x1BF5;
	p2 =	por !p2, p0  }
0x20: {  	[sflag:s8] =	ssyncset.s32 @!p0 $0xFFFFF086;
	s6 =	sadd.s32 @!p0 s3, s7;
	s7 =	simm.s32 @!p0 $0x108  }
0x21: {  	s3 =	sadd.s32 s3, s9;
	s6 =	sadd.s32 @!p0 $0x88, s6;
	s7 =	simm.s32 @p2 $0x1082  }
0x22: {  	[simem:s7], [sflag:s8] =	dma.local @!p0 [hbm:s6], $0xF7A  }
0x23: {  	s9 =	sor.u32 $0xD0000000, s2;
	s6 =	simm.s32 $0x108;
	_ =	swait.ge @!p0 [sflag:s8], $0x0  }
0x24: {  	s3 =	sadd.s32 $0x88, s3;
	s6 =	simm.s32 @!p1 $0x1082;
	[sflag:s4] =	ssyncset.s32 $0xFFFFF086  }
0x25: {  	[simem:s6], [sflag:s4] =	dma.local [hbm:s3], $0xF7A  }
0x26: {  	[smem:$0x3F9A] =	sst s1;
	(tag) =	ssettag s2;
	_ =	strace s9  }
0x27: {  	s1 =	sld [smem:$0x3FAA]  }
0x28: {  	s2 =	sld [smem:$0x3FAB]  }
0x29: {  	s4 =	sld [smem:$0x3FAD]  }
0x2a: {  	p0 =	seq.s32 s5, $0x0;
	s5 =	sld [smem:$0x3FAE]  }
0x2b: {  	s6 =	sld [smem:$0x3FAF]  }
0x2c: {  	s7 =	sld [smem:$0x3FB0]  }
0x2d: {  	s3 =	simm.s32 $0x108;
	s8 =	sld [smem:$0x3FB1]  }
0x2e: {  	s3 =	simm.s32 @!p0 $0x1082;
	s9 =	sld [smem:$0x3FB2]  }
0x2f: {  	lr =	sadd.s32 s0, s3;
	s0 =	sld [smem:$0x3FA9]  }
0x30: {  	s3 =	sld [smem:$0x3FAC]  }
0x31: {  	[smem:$0x3FB5] =	sst s10  }
0x32: {  	s10 =	sld [smem:$0x3FB3];
	_ =	sdelay $0x3  }
0x33: {  	p0 =	seq.s32 s10, $0x1;
	s10 =	sld [smem:$0x3FB5];
	_ =	sdelay $0x3  }
0x34: {  	[smem:$0x3FB5] =	sst s10  }
0x35: {  	s10 =	sld [smem:$0x3FB4];
	_ =	sdelay $0x3  }
0x36: {  	p1 =	seq.s32 s10, $0x1;
	s10 =	sld [smem:$0x3FB5];
	_ =	sdelay $0x3  }
0x37: {  	[smem:$0x3FB5] =	sst s10  }
0x38: {  	s10 =	sld [smem:$0x3FB6]  }
0x39: {  	_ = 	snop;
	(pc) =	sbr.ind lr, $3  }
0x3a: {  	_ = 	snop  }
0x3b: {  	_ = 	snop  }
0x3c: {  	p2 =	seq.s32 s10, $0x1;
	s10 =	sld [smem:$0x3FB5]  }
0x3d: {  	_ =	shalt  }
0x3e: {  	_ =	shalt  }
0x3f: {  	_ =	shalt  }
0x40: {  	_ =	shalt  }
0x41: {  	_ =	shalt  }
0x42: {  	_ =	shalt  }
0x43: {  	_ =	shalt  }
0x44: {  	_ =	shalt  }
0x45: {  	_ =	shalt  }
0x46: {  	_ =	shalt  }
0x47: {  	_ =	shalt  }
0x48: {  	_ =	shalt  }
0x49: {  	_ =	shalt  }
0x4a: {  	_ =	shalt  }
0x4b: {  	_ =	shalt  }
0x4c: {  	_ =	shalt  }
0x4d: {  	_ =	shalt  }
0x4e: {  	_ =	shalt  }
0x4f: {  	_ =	shalt  }
0x50: {  	_ =	shalt  }
0x51: {  	_ =	shalt  }
0x52: {  	_ =	shalt  }
0x53: {  	_ =	shalt  }
0x54: {  	_ =	shalt  }
0x55: {  	_ =	shalt  }
0x56: {  	_ =	shalt  }
0x57: {  	_ =	shalt  }
0x58: {  	_ =	shalt  }
0x59: {  	_ =	shalt  }
0x5a: {  	_ =	shalt  }
0x5b: {  	_ =	shalt  }
0x5c: {  	_ =	shalt  }
0x5d: {  	_ =	shalt  }
0x5e: {  	_ =	shalt  }
0x5f: {  	_ =	shalt  }
0x60: {  	_ =	shalt  }
0x61: {  	_ =	shalt  }
0x62: {  	_ =	shalt  }
0x63: {  	_ =	shalt  }
0x64: {  	_ =	shalt  }
0x65: {  	_ =	shalt  }
0x66: {  	_ =	shalt  }
0x67: {  	_ =	shalt  }
0x68: {  	_ =	shalt  }
0x69: {  	_ =	shalt  }
0x6a: {  	_ =	shalt  }
0x6b: {  	_ =	shalt  }
0x6c: {  	_ =	shalt  }
0x6d: {  	_ =	shalt  }
0x6e: {  	_ =	shalt  }
0x6f: {  	_ =	shalt  }
0x70: {  	_ =	shalt  }
0x71: {  	_ =	shalt  }
0x72: {  	_ =	shalt  }
0x73: {  	_ =	shalt  }
0x74: {  	_ =	shalt  }
0x75: {  	_ =	shalt  }
0x76: {  	_ =	shalt  }
0x77: {  	_ =	shalt  }
0x78: {  	_ =	shalt  }
0x79: {  	_ =	shalt  }
0x7a: {  	_ =	shalt  }
0x7b: {  	_ =	shalt  }
0x7c: {  	_ =	shalt  }
0x7d: {  	_ =	shalt  }
0x7e: {  	_ =	shalt  }
0x7f: {  	_ =	shalt  }
0x80: {  	_ =	shalt  }
0x81: {  	_ =	shalt  }
0x82: {  	_ =	shalt  }
0x83: {  	_ =	shalt  }
0x84: {  	_ =	shalt  }
0x85: {  	_ =	shalt  }
0x86: {  	_ =	shalt  }
0x87: {  	_ =	shalt  }
.Lfunc_end0:
.L_simem_size_0:
called_computation_lowered:
.L_overlay_start_0:
0x88: {  	s2 =	sld [smem:$0x3FD9]  }
0x89: {  	s3 =	sld [smem:$0x3FFE];
	_ =	sdelay $0x1  }
0x8a: {  	s1 =	srdreg.scid  }
0x8b: {  	s0 =	sand.u32 $0x1, s1  }
0x8c: {  	s17 =	sshll.u32 s0, $0xA;
	s2 =	sadd.s32 s3, s2  }
0x8d: {  	s2 =	sadd.s32 s2, s17  }
0x8e: {  	[smem:$0x3FC1] =	sst s2  }
0x8f: {  	_ = 	snop  }
0x90: {  	s2 =	sld [smem:$0x3FD0];
	(tm) =	ssettm $0x1  }
0x91: {  	s18 =	sld [smem:$0x3FFB];
	_ =	sdelay $0x3  }
0x92: {  	_ =	strace s18  }
0x93: {  	s3 =	sld [smem:$0x3FFC];
	_ =	sdelay $0x3  }
0x94: {  	_ =	strace s3  }
0x95: {  	s3 =	sld [smem:$0x3FFD];
	_ =	sdelay $0x3  }
0x96: {  	_ =	strace s3  }
0x97: {  	_ =	strace $0x8FFFFFFF  }
0x98: {  	s19 =	sld [smem:$0x3FDB];
	_ =	sdelay $0x1  }
0x99: {  	s4 =	simm.s32 $_scs_section_size  }
0x9a: {  	s5 =	simm.s32 $_size__tile_overlayer_lowered;
	s6 =	simm.s32 $_tile_overlayer_lowered  }
0x9b: {  	s22 =	simm.s32 $0x1BFF;
	s21 =	sshll.u32 s6, $0x1;
	s3 =	sadd.s32 s4, s19  }
0x9c: {  	s7 =	simm.s32 $0x0;
	s20 =	sshll.u32 s5, $0x1;
	s5 =	sadd.s32 s21, s3  }
0x9d: {  	[timem:s7], [sflag:s22] =	dma.local [hbm:s5], s20  }
0x9e: {  	_ =	swait.ge [sflag:s22], s20  }
0x9f: {  	s4 =	ssub.s32 $0x0, s20;
	[sflag:s22] =	ssyncset.done $0x0  }
0xa0: {  	[sflag:s22] =	ssyncadd.s32 s4;
	_ =	sdelay $0x1  }
0xa1: {  	s23 =	simm.s32 $0x1B8B  }
0xa2: {  	_ =	swait.ge [sflag:s23], $0x1  }
0xa3: {  	[sflag:s23] =	ssyncset.done $0x0  }
0xa4: {  	s25 =	simm.s32 $0x1B8E;
	s24 =	sld [smem:$0x3FFE];
	[sflag:s23] =	ssyncadd.s32 $0xFFFFFFFF  }
0xa5: {  	s26 =	simm.s32 $execute0_lowered;
	[smem:$0x3FD2] =	sst s25  }
0xa6: {  	s5 =	sshll.u32 s26, $0x1;
	_ =	strace $0x80000046;
	[dreg:$0x1] =	wrdreg $0xFFFFFFFF  }
0xa7: {  	s28 =	simm.s32 $_size_execute0_lowered;
	s3 =	sadd.s32 s3, s5;
	[dreg:$0x0] =	wrdreg $0x0  }
0xa8: {  	s5 =	sshll.u32 s28, $0x1;
	[dreg:$0x2] =	wrdreg s3  }
0xa9: {  	[dreg:$0x3] =	wrdreg s5  }
0xaa: {  	[dreg:$0x4] =	wrdreg $0xC0  }
0xab: {  	_ =	task [dreg:s7], $0x5FFFF  }
0xac: {  	[dreg:$0x1] =	wrdreg $0xFFFFFFFF  }
0xad: {  	[dreg:$0x0] =	wrdreg $0x60  }
0xae: {  	[dreg:$0x2] =	wrdreg s24  }
0xaf: {  	[dreg:$0x3] =	wrdreg s2  }
0xb0: {  	[dreg:$0x4] =	wrdreg $0x9  }
0xb1: {  	_ =	task.clear_ibuf [dreg:s7], $0x5FFFF;
	_ =	strace $0x90000046  }
0xb2: {  	s29 =	simm.s32 $0x9;
	_ =	strace $0x80000048  }
0xb3: {  	_ =	swait.ge [sflag:s29], $0x1  }
0xb4: {  	[sflag:s29] =	ssyncadd.s32 $0xFFFFFFFF  }
0xb5: {  	_ =	strace $0x90000048  }
0xb6: {  	_ =	sfence  }
0xb7: {  	s30 =	sld [smem:$0x0];
	_ =	sdelay $0x2  }
0xb8: {  	s31 =	sshll.u32 s1, $0xD;
	s1 =	sshrl.u32 s1, $0x2  }
0xb9: {  	s3 =	sand.u32 $0x4000, s31;
	s1 =	sadd.s32 s1, s30  }
0xba: {  	s0 =	sor.u32 s3, s0;
	s1 =	sshll.u32 s1, $0x11  }
0xbb: {  	s0 =	sor.u32 s1, s0  }
0xbc: {  	s0 =	sadd.s32 $0x8F2B, s0  }
0xbd: {  	[sflag:s0] =	ssyncadd.remote.s32 $0x1  }
0xbe: {  	_ =	sfence.sel $0xFFFF  }
0xbf: {  	[dreg:$0x0] =	wrdreg $0xFFFFFFFF;
	(pc) =	sbr.abs _section_cstart, $3  }
0xc0: {  	[dreg:$0x1] =	wrdreg $0xFFFFFFFF  }
0xc1: {  	_ =	task.clear_ibuf [dreg:s7], $0x2FFFF;
	_ =	strace $0x9FFFFFFF  }
0xc2: {  	(tm) =	ssettm $0x7FFFFFFF  }
0xc3: {  	_ =	shalt  }
tec
execute0_lowered:
.L_overlay_start_1:
0x0: {  	(tag) =	ssettag $0x1  }
0x1: {  	s0 =	rddreg [dreg:$0x0]  }
0x2: {  	s10 =	rddreg [dreg:$0x1];
	s1 =	simm.s32 $0x0;
	s8 =	srdreg.scid  }
0x3: {  	s4 =	stileid.u32;
	s14 =	simm.s32 $0x5810;
	s15 =	simm.s32 $0x200  }
0x4: {  	s16 =	simm.s32 $0x1000;
	s17 =	simm.s32 $0x1400;
	s18 =	simm.s32 $0x1200  }
0x5: {  	s19 =	simm.s32 $0x3400;
	s20 =	simm.s32 $0x5400;
	s21 =	simm.s32 $0x5600  }
0x6: {  	s22 =	simm.s32 $0x1;
	s23 =	simm.s32 $0x5820;
	s24 =	simm.s32 $0x0  }
0x7: {  	[smem:$0x7FF] =	sst s1;
	s2 =	sadd.s32 $0x112AA00, s0;
	s3 =	sadd.s32 $0x22A00, s0  }
0x8: {  	s5 =	sadd.s32 $0xF42400, s0;
	s6 =	sadd.s32 $0x4000, s0;
	s7 =	sadd.s32 $0x41400, s0  }
0x9: {  	s8 =	sand.u32 $0x1, s8;
	s11 =	sshll.u32 s4, $0xA;
	_ =	strace $0x80000047  }
0xa: {  	s9 =	ssub.s32 $0x2, s8;
	s12 =	sshll.u32 s8, $0x9;
	s8 =	sadd.s32 $0x41600, s0  }
0xb: {  	s13 =	sshrl.u32 s9, $0x1;
	s11 =	sor.u32 s12, s11;
	s12 =	simm.s32 $0x2  }
0xc: {  	v1 =	vlaneseq.u32;
	s30 =	ssub.s32 s9, s13;
	s9 =	sadd.s32 s0, s11;
	s31 =	sshrl.u32 s11, $0x3  }
0xd: {  	v0 =	vmul.u32 $0x8, v1;
	v1 =	vmul.u32 $0x10, v1;
	s13 =	simm.s32 $0x5800;
	s10 =	sadd.s32 s10, s31;
	s11 =	smax.u32 s30, $0x1  }
.LBB2_1:
0xe: {  	[tilespmem:s1], [sflag:$0x2] =	stream.linear.gather [hbm4b:s9+s1], $0x1000, $0x38;
	[tilespmem:$0x5A20] =	vst v63  }
0xf: {  	_ =	swait.ge [sflag:s12], $0x1000  }
0x10: {  	[sflag:s12] =	ssyncset.done $0x0  }
0x11: {  	[sflag:s12] =	ssyncadd.s32 $0xFFFFF000  }
0x12: {  	[tilespmem:s13], [sflag:$0x2] =	stream.linear.gather [hbm4b:s7+s1], $0x10, $0x38;
	[tilespmem:$0x5A20] =	vst v63  }
0x13: {  	v2 =	vmov s1;
	_ =	swait.ge [sflag:s12], $0x10  }
0x14: {  	v2 =	vshll.u32 v2, $0x3;
	[sflag:s12] =	ssyncset.done $0x0  }
0x15: {  	v2 =	vor.u32 v0, v2;
	[sflag:s12] =	ssyncadd.s32 $0xFFFFFFF0  }
0x16: {  	[tilespmem:s14], [sflag:$0x2] =	stream.linear.gather [hbm4b:s8+s1], $0x10, $0x38;
	[tilespmem:$0x5A20] =	vst v63  }
0x17: {  	_ =	swait.ge [sflag:s12], $0x10  }
0x18: {  	[sflag:s12] =	ssyncset.done $0x0  }
0x19: {  	[sflag:s12] =	ssyncadd.s32 $0xFFFFFFF0  }
0x1a: {  	v3 =	vld.idx.msk [tilespmem:v2+s1+$0x0], $0xffff  }
0x1b: {  	v2 =	vor.u32 $0x1, v2;
	_ =	sdelay $0x2  }
0x1c: {  	s25 =	simm.s32 $0x1020;
	s0 =	simm.s32 $0x10  }
0x1d: {  	[tilespmem:s25+$0xFFFFFFE0] =	vst v3;
	v3 =	vmov s0  }
0x1e: {  	v2 =	vld.idx.msk [tilespmem:v2+s1+$0x0], $0xffff;
	v3 =	vshll.u32 v3, $0x3  }
0x1f: {  	v3 =	vor.u32 v0, v3;
	_ =	sdelay $0x2  }
0x20: {  	s26 =	simm.s32 $0x1220  }
0x21: {  	[tilespmem:s26+$0xFFFFFFE0] =	vst v2  }
0x22: {  	v2 =	vld.idx.msk [tilespmem:v3+s1+$0x0], $0xffff  }
0x23: {  	v3 =	vor.u32 $0x1, v3;
	_ =	sdelay $0x2  }
0x24: {  	s30 =	simm.s32 $0x20  }
0x25: {  	[tilespmem:s25+$0xFFFFFFF0] =	vst v2;
	v2 =	vmov s30  }
0x26: {  	v3 =	vld.idx.msk [tilespmem:v3+s1+$0x0], $0xffff;
	v2 =	vshll.u32 v2, $0x3  }
0x27: {  	v2 =	vor.u32 v0, v2;
	_ =	sdelay $0x3  }
0x28: {  	[tilespmem:s26+$0xFFFFFFF0] =	vst v3  }
0x29: {  	v3 =	vld.idx.msk [tilespmem:v2+s1+$0x0], $0xffff  }
0x2a: {  	v2 =	vor.u32 $0x1, v2;
	_ =	sdelay $0x2  }
0x2b: {  	s31 =	simm.s32 $0x30  }
0x2c: {  	[tilespmem:s25+$0x0] =	vst v3;
	v3 =	vmov s31  }
0x2d: {  	v2 =	vld.idx.msk [tilespmem:v2+s1+$0x0], $0xffff;
	v3 =	vshll.u32 v3, $0x3  }
0x2e: {  	v3 =	vor.u32 v0, v3;
	_ =	sdelay $0x3  }
0x2f: {  	[tilespmem:s26+$0x0] =	vst v2  }
0x30: {  	v4 =	vld.idx.msk [tilespmem:v3+s1+$0x0], $0xffff  }
0x31: {  	v2 =	vor.u32 $0x1, v3;
	_ =	sdelay $0x3  }
0x32: {  	s28 =	simm.s32 $0x0;
	s29 =	simm.s32 $0x40;
	[tilespmem:s25+$0x10] =	vst v4  }
.LBB2_2:
0x33: {  	v3 =	vmov s29;
	s28 =	sadd.s32 $0x4, s28;
	v2 =	vld.idx.msk [tilespmem:v2+s1+$0x0], $0xffff  }
0x34: {  	v3 =	vshll.u32 v3, $0x3;
	p0 =	slt.u32 s28, $0x1C  }
0x35: {  	v3 =	vor.u32 v0, v3;
	_ =	sdelay $0x3  }
0x36: {  	[tilespmem:s26+$0x10] =	vst v2  }
0x37: {  	v2 =	vld.idx.msk [tilespmem:v3+s1+$0x0], $0xffff;
	_ =	sdelay $0x1  }
0x38: {  	v3 =	vor.u32 $0x1, v3;
	_ =	sdelay $0x2  }
0x39: {  	s25 =	sadd.s32 $0x40, s25  }
0x3a: {  	s0 =	sadd.s32 $0x10, s29;
	[tilespmem:s25+$0xFFFFFFE0] =	vst v2  }
0x3b: {  	v2 =	vld.idx.msk [tilespmem:v3+s1+$0x0], $0xffff;
	v3 =	vmov s0  }
0x3c: {  	v3 =	vshll.u32 v3, $0x3  }
0x3d: {  	v3 =	vor.u32 v0, v3;
	_ =	sdelay $0x2  }
0x3e: {  	s26 =	sadd.s32 $0x40, s26  }
0x3f: {  	[tilespmem:s26+$0xFFFFFFE0] =	vst v2  }
0x40: {  	v2 =	vld.idx.msk [tilespmem:v3+s1+$0x0], $0xffff;
	_ =	sdelay $0x1  }
0x41: {  	v3 =	vor.u32 $0x1, v3;
	_ =	sdelay $0x3  }
0x42: {  	s0 =	sadd.s32 $0x20, s29;
	[tilespmem:s25+$0xFFFFFFF0] =	vst v2  }
0x43: {  	v2 =	vld.idx.msk [tilespmem:v3+s1+$0x0], $0xffff;
	v3 =	vmov s0  }
0x44: {  	v3 =	vshll.u32 v3, $0x3  }
0x45: {  	v3 =	vor.u32 v0, v3;
	_ =	sdelay $0x3  }
0x46: {  	[tilespmem:s26+$0xFFFFFFF0] =	vst v2  }
0x47: {  	v2 =	vld.idx.msk [tilespmem:v3+s1+$0x0], $0xffff;
	_ =	sdelay $0x1  }
0x48: {  	v3 =	vor.u32 $0x1, v3;
	_ =	sdelay $0x3  }
0x49: {  	s0 =	sadd.s32 $0x30, s29;
	[tilespmem:s25+$0x0] =	vst v2  }
0x4a: {  	v2 =	vld.idx.msk [tilespmem:v3+s1+$0x0], $0xffff;
	v3 =	vmov s0  }
0x4b: {  	v3 =	vshll.u32 v3, $0x3  }
0x4c: {  	v3 =	vor.u32 v0, v3;
	_ =	sdelay $0x3  }
0x4d: {  	[tilespmem:s26+$0x0] =	vst v2  }
0x4e: {  	v4 =	vld.idx.msk [tilespmem:v3+s1+$0x0], $0xffff;
	_ =	sdelay $0x1  }
.Ltmp0:
0x4f: {  	v2 =	vor.u32 $0x1, v3;
	(pc) =	sbr.rel @p0 .LBB2_2-.Ltmp0, $2  }
0x50: {  	_ =	sdelay $0x2  }
0x51: {  	s29 =	sadd.s32 $0x40, s29;
	[tilespmem:s25+$0x10] =	vst v4  }
0x52: {  	_ =	sdelay $0x3  }
0x53: {  	v2 =	vld.idx.msk [tilespmem:v2+s1+$0x0], $0xffff;
	_ =	sdelay $0x4  }
0x54: {  	[tilespmem:s26+$0x10] =	vst v2  }
0x55: {  	[tilespmem:s17], [sflag:$0x1] =	stream.indirect.gather [hbm4b:s2+s15], $0x10, s16, s15, $0xb8;
	[tilespmem:$0x5A20] =	vst v63  }
0x56: {  	_ = 	snop  }
0x57: {  	[tilespmem:s19], [sflag:$0x1] =	stream.indirect.gather [hbm4b:s5+s15], $0x10, s18, s15, $0xb8;
	[tilespmem:$0x5A20] =	vst v63  }
0x58: {  	_ = 	snop  }
0x59: {  	[tilespmem:s20], [sflag:$0x1] =	stream.indirect.gather [hbm4b:s3+s15], $0x1, s16, s15, $0xb8;
	[tilespmem:$0x5A20] =	vst v63  }
0x5a: {  	_ = 	snop  }
0x5b: {  	[tilespmem:s21], [sflag:$0x1] =	stream.indirect.gather [hbm4b:s6+s15], $0x1, s18, s15, $0xb8;
	[tilespmem:$0x5A20] =	vst v63  }
0x5c: {  	_ =	swait.ge [sflag:s22], $0x2000  }
0x5d: {  	[sflag:s22] =	ssyncset.done $0x0  }
0x5e: {  	[sflag:s22] =	ssyncadd.s32 $0xFFFFE000  }
0x5f: {  	_ =	swait.ge [sflag:s22], $0x2000  }
0x60: {  	s0 =	simm.s32 $0x0;
	[sflag:s22] =	ssyncset.done $0x0  }
0x61: {  	v2 =	vmov s0;
	[sflag:s22] =	ssyncadd.s32 $0xFFFFE000  }
0x62: {  	v2 =	vshll.u32 v2, $0x4;
	_ =	swait.ge [sflag:s22], $0x200  }
0x63: {  	v2 =	vor.u32 v1, v2;
	[sflag:s22] =	ssyncset.done $0x0  }
0x64: {  	[sflag:s22] =	ssyncadd.s32 $0xFFFFFE00  }
0x65: {  	_ =	swait.ge [sflag:s22], $0x200  }
0x66: {  	[sflag:s22] =	ssyncset.done $0x0  }
0x67: {  	v3 =	vor.u32 $0x1, v2;
	[sflag:s22] =	ssyncadd.s32 $0xFFFFFE00  }
0x68: {  	s26 =	simm.s32 $0x5610;
	v4 =	vld.idx.msk [tilespmem:v2+s19+$0x0], $0xffff  }
0x69: {  	v6 =	vor.u32 $0x2, v2;
	v5 =	vld [tilespmem:s26+$0xFFFFFFF0]  }
0x6a: {  	s25 =	simm.s32 $0x5410;
	v7 =	vld.idx.msk [tilespmem:v2+s17+$0x0], $0xffff  }
0x6b: {  	v9 =	vor.u32 $0x3, v2;
	v8 =	vld [tilespmem:s25+$0xFFFFFFF0]  }
0x6c: {  	v10 =	vld.idx.msk [tilespmem:v3+s19+$0x0], $0xffff  }
0x6d: {  	v11 =	vor.u32 $0x4, v2;
	v3 =	vld.idx.msk [tilespmem:v3+s17+$0x0], $0xffff  }
0x6e: {  	v12 =	vld.idx.msk [tilespmem:v6+s19+$0x0], $0xffff  }
0x6f: {  	v13 =	vor.u32 $0x5, v2;
	v6 =	vld.idx.msk [tilespmem:v6+s17+$0x0], $0xffff  }
0x70: {  	v25 =	vld.idx.msk [tilespmem:v9+s19+$0x0], $0xffff;
	v5 =	vadd.f32 v5, v8;
	v4 =	vmul.f32 v4, v7  }
0x71: {  	v27 =	vor.u32 $0x6, v2;
	v26 =	vld.idx.msk [tilespmem:v9+s17+$0x0], $0xffff  }
0x72: {  	v14 =	vld.idx.msk [tilespmem:v11+s19+$0x0], $0xffff;
	v3 =	vmul.f32 v10, v3;
	v4 =	vadd.f32 v4, v5  }
0x73: {  	v28 =	vor.u32 $0x7, v2;
	v5 =	vld.idx.msk [tilespmem:v11+s17+$0x0], $0xffff  }
0x74: {  	v29 =	vld.idx.msk [tilespmem:v13+s19+$0x0], $0xffff;
	v3 =	vadd.f32 v3, v4;
	v4 =	vmul.f32 v12, v6  }
0x75: {  	v31 =	vor.u32 $0x8, v2;
	v30 =	vld.idx.msk [tilespmem:v13+s17+$0x0], $0xffff  }
0x76: {  	v32 =	vld.idx.msk [tilespmem:v27+s19+$0x0], $0xffff;
	v3 =	vadd.f32 v4, v3;
	v4 =	vmul.f32 v25, v26  }
0x77: {  	v34 =	vor.u32 $0x9, v2;
	v33 =	vld.idx.msk [tilespmem:v27+s17+$0x0], $0xffff  }
0x78: {  	v35 =	vld.idx.msk [tilespmem:v28+s19+$0x0], $0xffff;
	v3 =	vadd.f32 v4, v3;
	v4 =	vmul.f32 v14, v5  }
0x79: {  	v36 =	vor.u32 $0xA, v2;
	v5 =	vld.idx.msk [tilespmem:v28+s17+$0x0], $0xffff  }
0x7a: {  	v37 =	vld.idx.msk [tilespmem:v31+s19+$0x0], $0xffff;
	v3 =	vadd.f32 v4, v3;
	v4 =	vmul.f32 v29, v30  }
0x7b: {  	v39 =	vor.u32 $0xB, v2;
	v38 =	vld.idx.msk [tilespmem:v31+s17+$0x0], $0xffff  }
0x7c: {  	v40 =	vld.idx.msk [tilespmem:v34+s19+$0x0], $0xffff;
	v3 =	vadd.f32 v4, v3;
	v4 =	vmul.f32 v32, v33  }
0x7d: {  	v42 =	vor.u32 $0xC, v2;
	v41 =	vld.idx.msk [tilespmem:v34+s17+$0x0], $0xffff  }
0x7e: {  	v43 =	vld.idx.msk [tilespmem:v36+s19+$0x0], $0xffff;
	v3 =	vadd.f32 v4, v3;
	v4 =	vmul.f32 v35, v5  }
0x7f: {  	v44 =	vor.u32 $0xD, v2;
	v5 =	vld.idx.msk [tilespmem:v36+s17+$0x0], $0xffff  }
0x80: {  	v45 =	vld.idx.msk [tilespmem:v39+s19+$0x0], $0xffff;
	v3 =	vadd.f32 v4, v3;
	v4 =	vmul.f32 v37, v38  }
0x81: {  	v47 =	vor.u32 $0xE, v2;
	v46 =	vld.idx.msk [tilespmem:v39+s17+$0x0], $0xffff  }
0x82: {  	v48 =	vld.idx.msk [tilespmem:v42+s19+$0x0], $0xffff;
	v3 =	vadd.f32 v4, v3;
	v4 =	vmul.f32 v40, v41  }
0x83: {  	v49 =	vld.idx.msk [tilespmem:v42+s17+$0x0], $0xffff;
	v2 =	vor.u32 $0xF, v2  }
0x84: {  	v50 =	vld.idx.msk [tilespmem:v44+s19+$0x0], $0xffff;
	v3 =	vadd.f32 v4, v3;
	v4 =	vmul.f32 v43, v5  }
0x85: {  	v5 =	vld.idx.msk [tilespmem:v44+s17+$0x0], $0xffff  }
0x86: {  	v51 =	vld.idx.msk [tilespmem:v47+s19+$0x0], $0xffff;
	v3 =	vadd.f32 v4, v3;
	v4 =	vmul.f32 v45, v46  }
0x87: {  	v52 =	vld.idx.msk [tilespmem:v47+s17+$0x0], $0xffff  }
0x88: {  	v53 =	vld.idx.msk [tilespmem:v2+s19+$0x0], $0xffff;
	v3 =	vadd.f32 v4, v3;
	v4 =	vmul.f32 v48, v49  }
0x89: {  	v2 =	vld.idx.msk [tilespmem:v2+s17+$0x0], $0xffff  }
0x8a: {  	v3 =	vadd.f32 v4, v3;
	v4 =	vmul.f32 v50, v5  }
0x8b: {  	v5 =	vld [tilespmem:$0x5800]  }
0x8c: {  	v3 =	vadd.f32 v4, v3;
	v4 =	vmul.f32 v51, v52;
	_ =	sdelay $0x1  }
0x8d: {  	v54 =	vmul.f32 v53, v2;
	v4 =	vadd.f32 v4, v3  }
0x8e: {  	v2 =	vld [tilespmem:$0x5810]  }
0x8f: {  	v3 =	vmul.f32 $9.995003930e-01, v5;
	v4 =	vadd.f32 v54, v4;
	_ =	sdelay $0x1  }
0x90: {  	v4 =	vmul.f32 v4, v3;
	_ =	sdelay $0x1  }
0x91: {  	v4 =	vadd.f32 v4, v2;
	_ =	sdelay $0x1  }
0x92: {  	v4 =	vsub.f32 $0.0e+00, v4;
	_ =	sdelay $0x1  }
0x93: {  	v4 =	vmul.f32 $1.442695020e+00, v4;
	_ =	sdelay $0x1  }
0x94: {  	(erf) = vpow2.f32 v4;
	_ =	sdelay $0x8  }
0x95: {  	v4 =	vpop (erf)  }
0x96: {  	v4 =	vadd.f32 $1.000000000e+00, v4;
	_ =	sdelay $0x1  }
0x97: {  	(erf) = vrcp.f32 v4;
	_ =	sdelay $0x2  }
0x98: {  	s0 =	simm.s32 $0x10  }
0x99: {  	v4 =	vmov s0  }
0x9a: {  	v4 =	vshll.u32 v4, $0x4  }
0x9b: {  	v4 =	vor.u32 v1, v4;
	_ =	sdelay $0x2  }
0x9c: {  	s29 =	simm.s32 $0x5830;
	v5 =	vpop (erf)  }
0x9d: {  	v55 =	vor.u32 $0x1, v4;
	[tilespmem:s29+$0xFFFFFFF0] =	vst v5  }
0x9e: {  	v5 =	vld.idx.msk [tilespmem:v4+s17+$0x0], $0xffff  }
0x9f: {  	v57 =	vor.u32 $0x2, v4;
	v56 =	vld [tilespmem:s25+$0x0]  }
0xa0: {  	v58 =	vld.idx.msk [tilespmem:v4+s19+$0x0], $0xffff  }
0xa1: {  	v59 =	vor.u32 $0x3, v4;
	v60 =	vld [tilespmem:s26+$0x0]  }
0xa2: {  	v61 =	vld.idx.msk [tilespmem:v55+s19+$0x0], $0xffff  }
0xa3: {  	v62 =	vor.u32 $0x4, v4;
	v6 =	vld.idx.msk [tilespmem:v55+s17+$0x0], $0xffff  }
0xa4: {  	v63 =	vld.idx.msk [tilespmem:v57+s19+$0x0], $0xffff  }
0xa5: {  	v15 =	vor.u32 $0x5, v4;
	v8 =	vld.idx.msk [tilespmem:v57+s17+$0x0], $0xffff  }
0xa6: {  	v16 =	vld.idx.msk [tilespmem:v59+s19+$0x0], $0xffff;
	v7 =	vadd.f32 v60, v56;
	v5 =	vmul.f32 v58, v5  }
0xa7: {  	v19 =	vor.u32 $0x6, v4;
	v18 =	vld.idx.msk [tilespmem:v59+s17+$0x0], $0xffff  }
0xa8: {  	v20 =	vld.idx.msk [tilespmem:v62+s19+$0x0], $0xffff;
	v6 =	vmul.f32 v61, v6;
	v5 =	vadd.f32 v5, v7  }
0xa9: {  	v22 =	vor.u32 $0x7, v4;
	v21 =	vld.idx.msk [tilespmem:v62+s17+$0x0], $0xffff  }
0xaa: {  	v23 =	vld.idx.msk [tilespmem:v15+s19+$0x0], $0xffff;
	v24 =	vmul.f32 v63, v8;
	v5 =	vadd.f32 v6, v5  }
0xab: {  	v26 =	vor.u32 $0x8, v4;
	v25 =	vld.idx.msk [tilespmem:v15+s17+$0x0], $0xffff  }
0xac: {  	v27 =	vld.idx.msk [tilespmem:v19+s19+$0x0], $0xffff;
	v28 =	vmul.f32 v16, v18;
	v5 =	vadd.f32 v24, v5  }
0xad: {  	v30 =	vor.u32 $0x9, v4;
	v29 =	vld.idx.msk [tilespmem:v19+s17+$0x0], $0xffff  }
0xae: {  	v31 =	vld.idx.msk [tilespmem:v22+s19+$0x0], $0xffff;
	v32 =	vmul.f32 v20, v21;
	v5 =	vadd.f32 v28, v5  }
0xaf: {  	v34 =	vor.u32 $0xA, v4;
	v33 =	vld.idx.msk [tilespmem:v22+s17+$0x0], $0xffff  }
0xb0: {  	v35 =	vld.idx.msk [tilespmem:v26+s19+$0x0], $0xffff;
	v36 =	vmul.f32 v23, v25;
	v5 =	vadd.f32 v32, v5  }
0xb1: {  	v38 =	vor.u32 $0xB, v4;
	v37 =	vld.idx.msk [tilespmem:v26+s17+$0x0], $0xffff  }
0xb2: {  	v39 =	vld.idx.msk [tilespmem:v30+s19+$0x0], $0xffff;
	v40 =	vmul.f32 v27, v29;
	v5 =	vadd.f32 v36, v5  }
0xb3: {  	v42 =	vor.u32 $0xC, v4;
	v41 =	vld.idx.msk [tilespmem:v30+s17+$0x0], $0xffff  }
0xb4: {  	v43 =	vld.idx.msk [tilespmem:v34+s19+$0x0], $0xffff;
	v44 =	vmul.f32 v31, v33;
	v5 =	vadd.f32 v40, v5  }
0xb5: {  	v46 =	vor.u32 $0xD, v4;
	v45 =	vld.idx.msk [tilespmem:v34+s17+$0x0], $0xffff  }
0xb6: {  	v47 =	vld.idx.msk [tilespmem:v38+s19+$0x0], $0xffff;
	v48 =	vmul.f32 v35, v37;
	v5 =	vadd.f32 v44, v5  }
0xb7: {  	v50 =	vor.u32 $0xE, v4;
	v49 =	vld.idx.msk [tilespmem:v38+s17+$0x0], $0xffff  }
0xb8: {  	v51 =	vld.idx.msk [tilespmem:v42+s19+$0x0], $0xffff;
	v52 =	vmul.f32 v39, v41;
	v5 =	vadd.f32 v48, v5  }
0xb9: {  	v53 =	vld.idx.msk [tilespmem:v42+s17+$0x0], $0xffff;
	v4 =	vor.u32 $0xF, v4  }
0xba: {  	v54 =	vld.idx.msk [tilespmem:v46+s19+$0x0], $0xffff;
	v55 =	vmul.f32 v43, v45;
	v5 =	vadd.f32 v52, v5  }
0xbb: {  	v56 =	vld.idx.msk [tilespmem:v46+s17+$0x0], $0xffff  }
0xbc: {  	v57 =	vld.idx.msk [tilespmem:v50+s19+$0x0], $0xffff;
	v58 =	vmul.f32 v47, v49;
	v5 =	vadd.f32 v55, v5  }
0xbd: {  	v59 =	vld.idx.msk [tilespmem:v50+s17+$0x0], $0xffff  }
0xbe: {  	v60 =	vld.idx.msk [tilespmem:v4+s19+$0x0], $0xffff;
	v61 =	vmul.f32 v51, v53;
	v5 =	vadd.f32 v58, v5  }
0xbf: {  	v4 =	vld.idx.msk [tilespmem:v4+s17+$0x0], $0xffff  }
0xc0: {  	v62 =	vmul.f32 v54, v56;
	v5 =	vadd.f32 v61, v5;
	_ =	sdelay $0x1  }
0xc1: {  	v63 =	vmul.f32 v57, v59;
	v5 =	vadd.f32 v62, v5;
	_ =	sdelay $0x1  }
0xc2: {  	v4 =	vmul.f32 v60, v4;
	v5 =	vadd.f32 v63, v5;
	_ =	sdelay $0x1  }
0xc3: {  	v4 =	vadd.f32 v4, v5;
	_ =	sdelay $0x1  }
0xc4: {  	v4 =	vmul.f32 v4, v3;
	_ =	sdelay $0x1  }
0xc5: {  	v4 =	vadd.f32 v4, v2;
	_ =	sdelay $0x1  }
0xc6: {  	v4 =	vsub.f32 $0.0e+00, v4;
	_ =	sdelay $0x1  }
0xc7: {  	v4 =	vmul.f32 $1.442695020e+00, v4;
	_ =	sdelay $0x1  }
0xc8: {  	(erf) = vpow2.f32 v4;
	_ =	sdelay $0x8  }
0xc9: {  	v4 =	vpop (erf)  }
0xca: {  	v4 =	vadd.f32 $1.000000000e+00, v4;
	_ =	sdelay $0x1  }
0xcb: {  	(erf) = vrcp.f32 v4  }
0xcc: {  	s31 =	simm.s32 $0x2  }
0xcd: {  	s30 =	simm.s32 $0x30;
	s28 =	simm.s32 $0x5850;
	s0 =	simm.s32 $0x20  }
.LBB2_4:
0xce: {  	s31 =	sadd.s32 $0x2, s31;
	v4 =	vmov s0;
	s25 =	sadd.s32 $0x20, s25;
	s26 =	sadd.s32 $0x20, s26  }
0xcf: {  	p0 =	slt.u32 s31, $0x1E;
	v4 =	vshll.u32 v4, $0x4  }
0xd0: {  	v4 =	vor.u32 v1, v4  }
0xd1: {  	v5 =	vor.u32 $0x1, v4;
	_ =	sdelay $0x2  }
0xd2: {  	v6 =	vpop (erf)  }
0xd3: {  	[tilespmem:s29+$0x0] =	vst v6;
	s29 =	smov.u32 s28  }
0xd4: {  	v6 =	vld.idx.msk [tilespmem:v4+s19+$0x0], $0xffff  }
0xd5: {  	v8 =	vor.u32 $0x2, v4;
	v7 =	vld [tilespmem:s26+$0xFFFFFFF0]  }
0xd6: {  	v9 =	vld.idx.msk [tilespmem:v4+s17+$0x0], $0xffff  }
0xd7: {  	v11 =	vor.u32 $0x3, v4;
	v10 =	vld [tilespmem:s25+$0xFFFFFFF0]  }
0xd8: {  	v12 =	vld.idx.msk [tilespmem:v5+s19+$0x0], $0xffff  }
0xd9: {  	v13 =	vor.u32 $0x4, v4;
	v5 =	vld.idx.msk [tilespmem:v5+s17+$0x0], $0xffff  }
0xda: {  	v14 =	vld.idx.msk [tilespmem:v8+s19+$0x0], $0xffff  }
0xdb: {  	v15 =	vor.u32 $0x5, v4;
	v8 =	vld.idx.msk [tilespmem:v8+s17+$0x0], $0xffff  }
0xdc: {  	v7 =	vadd.f32 v7, v10;
	v10 =	vld.idx.msk [tilespmem:v11+s19+$0x0], $0xffff  }
0xdd: {  	v6 =	vmul.f32 v6, v9;
	v9 =	vld.idx.msk [tilespmem:v11+s17+$0x0], $0xffff;
	v11 =	vor.u32 $0x6, v4  }
0xde: {  	v16 =	vld.idx.msk [tilespmem:v13+s19+$0x0], $0xffff  }
0xdf: {  	v6 =	vadd.f32 v6, v7;
	v5 =	vmul.f32 v12, v5;
	v12 =	vor.u32 $0x7, v4;
	v7 =	vld.idx.msk [tilespmem:v13+s17+$0x0], $0xffff  }
0xe0: {  	v13 =	vld.idx.msk [tilespmem:v15+s19+$0x0], $0xffff  }
0xe1: {  	v5 =	vadd.f32 v5, v6;
	v6 =	vmul.f32 v14, v8;
	v14 =	vor.u32 $0x8, v4;
	v8 =	vld.idx.msk [tilespmem:v15+s17+$0x0], $0xffff  }
0xe2: {  	v15 =	vld.idx.msk [tilespmem:v11+s19+$0x0], $0xffff  }
0xe3: {  	v5 =	vadd.f32 v6, v5;
	v6 =	vmul.f32 v10, v9;
	v10 =	vor.u32 $0x9, v4;
	v9 =	vld.idx.msk [tilespmem:v11+s17+$0x0], $0xffff  }
0xe4: {  	v11 =	vld.idx.msk [tilespmem:v12+s19+$0x0], $0xffff  }
0xe5: {  	v5 =	vadd.f32 v6, v5;
	v6 =	vmul.f32 v16, v7;
	v7 =	vld.idx.msk [tilespmem:v12+s17+$0x0], $0xffff;
	v12 =	vor.u32 $0xA, v4  }
0xe6: {  	v16 =	vld.idx.msk [tilespmem:v14+s19+$0x0], $0xffff  }
0xe7: {  	v5 =	vadd.f32 v6, v5;
	v6 =	vmul.f32 v13, v8;
	v13 =	vor.u32 $0xB, v4;
	v8 =	vld.idx.msk [tilespmem:v14+s17+$0x0], $0xffff  }
0xe8: {  	v14 =	vld.idx.msk [tilespmem:v10+s19+$0x0], $0xffff  }
0xe9: {  	v5 =	vadd.f32 v6, v5;
	v6 =	vmul.f32 v15, v9;
	v9 =	vld.idx.msk [tilespmem:v10+s17+$0x0], $0xffff;
	v10 =	vor.u32 $0xC, v4  }
0xea: {  	v15 =	vld.idx.msk [tilespmem:v12+s19+$0x0], $0xffff  }
0xeb: {  	v5 =	vadd.f32 v6, v5;
	v6 =	vmul.f32 v11, v7;
	v11 =	vor.u32 $0xD, v4;
	v7 =	vld.idx.msk [tilespmem:v12+s17+$0x0], $0xffff  }
0xec: {  	v12 =	vld.idx.msk [tilespmem:v13+s19+$0x0], $0xffff  }
0xed: {  	v5 =	vadd.f32 v6, v5;
	v6 =	vmul.f32 v16, v8;
	v8 =	vld.idx.msk [tilespmem:v13+s17+$0x0], $0xffff;
	v13 =	vor.u32 $0xE, v4  }
0xee: {  	v16 =	vld.idx.msk [tilespmem:v10+s19+$0x0], $0xffff  }
0xef: {  	v4 =	vor.u32 $0xF, v4;
	v5 =	vadd.f32 v6, v5;
	v6 =	vmul.f32 v14, v9;
	v9 =	vld.idx.msk [tilespmem:v10+s17+$0x0], $0xffff  }
0xf0: {  	v10 =	vld.idx.msk [tilespmem:v11+s19+$0x0], $0xffff  }
0xf1: {  	v5 =	vadd.f32 v6, v5;
	v6 =	vmul.f32 v15, v7;
	v7 =	vld.idx.msk [tilespmem:v11+s17+$0x0], $0xffff  }
0xf2: {  	v11 =	vld.idx.msk [tilespmem:v13+s19+$0x0], $0xffff  }
0xf3: {  	v5 =	vadd.f32 v6, v5;
	v6 =	vmul.f32 v12, v8;
	v8 =	vld.idx.msk [tilespmem:v13+s17+$0x0], $0xffff  }
0xf4: {  	v12 =	vld.idx.msk [tilespmem:v4+s19+$0x0], $0xffff  }
0xf5: {  	v5 =	vadd.f32 v6, v5;
	v6 =	vmul.f32 v16, v9;
	v4 =	vld.idx.msk [tilespmem:v4+s17+$0x0], $0xffff;
	_ =	sdelay $0x1  }
0xf6: {  	v5 =	vadd.f32 v6, v5;
	v6 =	vmul.f32 v10, v7;
	_ =	sdelay $0x1  }
0xf7: {  	v5 =	vadd.f32 v6, v5;
	v6 =	vmul.f32 v11, v8;
	_ =	sdelay $0x1  }
0xf8: {  	v5 =	vadd.f32 v6, v5;
	v4 =	vmul.f32 v12, v4;
	_ =	sdelay $0x1  }
0xf9: {  	v4 =	vadd.f32 v4, v5;
	_ =	sdelay $0x1  }
0xfa: {  	v4 =	vmul.f32 v4, v3;
	_ =	sdelay $0x1  }
0xfb: {  	v4 =	vadd.f32 v4, v2;
	_ =	sdelay $0x1  }
0xfc: {  	v4 =	vsub.f32 $0.0e+00, v4;
	_ =	sdelay $0x1  }
0xfd: {  	v4 =	vmul.f32 $1.442695020e+00, v4;
	_ =	sdelay $0x1  }
0xfe: {  	(erf) = vpow2.f32 v4;
	_ =	sdelay $0x8  }
0xff: {  	v4 =	vpop (erf)  }
0x100: {  	v4 =	vadd.f32 $1.000000000e+00, v4;
	_ =	sdelay $0x1  }
0x101: {  	(erf) = vrcp.f32 v4;
	_ =	sdelay $0x3  }
0x102: {  	v4 =	vmov s30  }
0x103: {  	v4 =	vshll.u32 v4, $0x4  }
0x104: {  	v4 =	vor.u32 v1, v4;
	_ =	sdelay $0x1  }
0x105: {  	v5 =	vor.u32 $0x1, v4  }
0x106: {  	v6 =	vpop (erf)  }
0x107: {  	[tilespmem:s28+$0xFFFFFFF0] =	vst v6  }
0x108: {  	v6 =	vld.idx.msk [tilespmem:v4+s17+$0x0], $0xffff  }
0x109: {  	v8 =	vor.u32 $0x2, v4;
	v7 =	vld [tilespmem:s25+$0x0]  }
0x10a: {  	v9 =	vld.idx.msk [tilespmem:v5+s19+$0x0], $0xffff  }
0x10b: {  	v11 =	vor.u32 $0x3, v4;
	v10 =	vld.idx.msk [tilespmem:v4+s19+$0x0], $0xffff  }
0x10c: {  	v12 =	vld [tilespmem:s26+$0x0]  }
0x10d: {  	v13 =	vor.u32 $0x4, v4;
	v5 =	vld.idx.msk [tilespmem:v5+s17+$0x0], $0xffff  }
0x10e: {  	v14 =	vld.idx.msk [tilespmem:v8+s19+$0x0], $0xffff  }
0x10f: {  	v15 =	vor.u32 $0x5, v4;
	v8 =	vld.idx.msk [tilespmem:v8+s17+$0x0], $0xffff  }
0x110: {  	v16 =	vld.idx.msk [tilespmem:v11+s19+$0x0], $0xffff  }
0x111: {  	v6 =	vmul.f32 v10, v6;
	v7 =	vadd.f32 v12, v7;
	v10 =	vld.idx.msk [tilespmem:v11+s17+$0x0], $0xffff;
	v11 =	vor.u32 $0x6, v4  }
0x112: {  	v12 =	vld.idx.msk [tilespmem:v13+s19+$0x0], $0xffff  }
0x113: {  	v5 =	vmul.f32 v9, v5;
	v9 =	vor.u32 $0x7, v4;
	v6 =	vadd.f32 v6, v7;
	v7 =	vld.idx.msk [tilespmem:v13+s17+$0x0], $0xffff  }
0x114: {  	v13 =	vld.idx.msk [tilespmem:v15+s19+$0x0], $0xffff  }
0x115: {  	v5 =	vadd.f32 v5, v6;
	v6 =	vmul.f32 v14, v8;
	v8 =	vld.idx.msk [tilespmem:v15+s17+$0x0], $0xffff;
	v14 =	vor.u32 $0x8, v4  }
0x116: {  	v15 =	vld.idx.msk [tilespmem:v11+s19+$0x0], $0xffff  }
0x117: {  	v5 =	vadd.f32 v6, v5;
	v6 =	vmul.f32 v16, v10;
	v10 =	vld.idx.msk [tilespmem:v11+s17+$0x0], $0xffff;
	v11 =	vor.u32 $0x9, v4  }
0x118: {  	v16 =	vld.idx.msk [tilespmem:v9+s19+$0x0], $0xffff  }
0x119: {  	v5 =	vadd.f32 v6, v5;
	v6 =	vmul.f32 v12, v7;
	v7 =	vld.idx.msk [tilespmem:v9+s17+$0x0], $0xffff;
	v9 =	vor.u32 $0xA, v4  }
0x11a: {  	v12 =	vld.idx.msk [tilespmem:v14+s19+$0x0], $0xffff  }
0x11b: {  	v5 =	vadd.f32 v6, v5;
	v6 =	vmul.f32 v13, v8;
	v8 =	vld.idx.msk [tilespmem:v14+s17+$0x0], $0xffff;
	v13 =	vor.u32 $0xB, v4  }
0x11c: {  	v14 =	vld.idx.msk [tilespmem:v11+s19+$0x0], $0xffff  }
0x11d: {  	v5 =	vadd.f32 v6, v5;
	v6 =	vmul.f32 v15, v10;
	v10 =	vld.idx.msk [tilespmem:v11+s17+$0x0], $0xffff;
	v11 =	vor.u32 $0xC, v4  }
0x11e: {  	v15 =	vld.idx.msk [tilespmem:v9+s19+$0x0], $0xffff  }
0x11f: {  	v5 =	vadd.f32 v6, v5;
	v6 =	vmul.f32 v16, v7;
	v7 =	vld.idx.msk [tilespmem:v9+s17+$0x0], $0xffff;
	v9 =	vor.u32 $0xD, v4  }
0x120: {  	v16 =	vld.idx.msk [tilespmem:v13+s19+$0x0], $0xffff  }
0x121: {  	v5 =	vadd.f32 v6, v5;
	v6 =	vmul.f32 v12, v8;
	v8 =	vld.idx.msk [tilespmem:v13+s17+$0x0], $0xffff;
	v12 =	vor.u32 $0xE, v4  }
0x122: {  	v13 =	vld.idx.msk [tilespmem:v11+s19+$0x0], $0xffff  }
0x123: {  	v4 =	vor.u32 $0xF, v4;
	v5 =	vadd.f32 v6, v5;
	v6 =	vmul.f32 v14, v10;
	v10 =	vld.idx.msk [tilespmem:v11+s17+$0x0], $0xffff  }
0x124: {  	v11 =	vld.idx.msk [tilespmem:v9+s19+$0x0], $0xffff  }
0x125: {  	v5 =	vadd.f32 v6, v5;
	v6 =	vmul.f32 v15, v7;
	v7 =	vld.idx.msk [tilespmem:v9+s17+$0x0], $0xffff  }
0x126: {  	v9 =	vld.idx.msk [tilespmem:v12+s19+$0x0], $0xffff  }
0x127: {  	v5 =	vadd.f32 v6, v5;
	v6 =	vmul.f32 v16, v8;
	v8 =	vld.idx.msk [tilespmem:v12+s17+$0x0], $0xffff  }
0x128: {  	v12 =	vld.idx.msk [tilespmem:v4+s19+$0x0], $0xffff  }
0x129: {  	v5 =	vadd.f32 v6, v5;
	v6 =	vmul.f32 v13, v10;
	v4 =	vld.idx.msk [tilespmem:v4+s17+$0x0], $0xffff;
	_ =	sdelay $0x1  }
0x12a: {  	v5 =	vadd.f32 v6, v5;
	v6 =	vmul.f32 v11, v7;
	_ =	sdelay $0x1  }
0x12b: {  	v5 =	vadd.f32 v6, v5;
	v6 =	vmul.f32 v9, v8;
	_ =	sdelay $0x1  }
0x12c: {  	v4 =	vmul.f32 v12, v4;
	v5 =	vadd.f32 v6, v5;
	_ =	sdelay $0x1  }
0x12d: {  	v4 =	vadd.f32 v4, v5;
	_ =	sdelay $0x1  }
0x12e: {  	v4 =	vmul.f32 v4, v3;
	_ =	sdelay $0x1  }
0x12f: {  	v4 =	vadd.f32 v4, v2;
	_ =	sdelay $0x1  }
0x130: {  	v4 =	vsub.f32 $0.0e+00, v4;
	_ =	sdelay $0x1  }
0x131: {  	v4 =	vmul.f32 $1.442695020e+00, v4;
	_ =	sdelay $0x1  }
0x132: {  	(erf) = vpow2.f32 v4;
	_ =	sdelay $0x8  }
0x133: {  	v4 =	vpop (erf)  }
.Ltmp1:
0x134: {  	v4 =	vadd.f32 $1.000000000e+00, v4;
	(pc) =	sbr.rel @p0 .LBB2_4-.Ltmp1, $4  }
0x135: {  	_ = 	snop  }
0x136: {  	(erf) = vrcp.f32 v4  }
0x137: {  	s30 =	sadd.s32 $0x20, s30  }
0x138: {  	s0 =	sadd.s32 $0xFFFFFFF0, s30;
	s28 =	sadd.s32 $0x20, s28  }
0x139: {  	_ = 	snop  }
0x13a: {  	v4 =	vmov s0  }
0x13b: {  	v4 =	vshll.u32 v4, $0x4  }
0x13c: {  	v4 =	vor.u32 v1, v4;
	_ =	sdelay $0x2  }
0x13d: {  	v5 =	vpop (erf)  }
0x13e: {  	v6 =	vor.u32 $0x1, v4;
	[tilespmem:s29+$0x0] =	vst v5  }
0x13f: {  	s26 =	sadd.s32 $0x20, s26;
	v5 =	vld.idx.msk [tilespmem:v4+s19+$0x0], $0xffff  }
0x140: {  	v8 =	vor.u32 $0x2, v4;
	v7 =	vld [tilespmem:s26+$0xFFFFFFF0]  }
0x141: {  	s25 =	sadd.s32 $0x20, s25;
	v9 =	vld.idx.msk [tilespmem:v4+s17+$0x0], $0xffff  }
0x142: {  	v11 =	vor.u32 $0x3, v4;
	v10 =	vld [tilespmem:s25+$0xFFFFFFF0]  }
0x143: {  	v12 =	vld.idx.msk [tilespmem:v6+s19+$0x0], $0xffff  }
0x144: {  	v13 =	vor.u32 $0x4, v4;
	v6 =	vld.idx.msk [tilespmem:v6+s17+$0x0], $0xffff  }
0x145: {  	v14 =	vld.idx.msk [tilespmem:v8+s19+$0x0], $0xffff  }
0x146: {  	v15 =	vor.u32 $0x5, v4;
	v8 =	vld.idx.msk [tilespmem:v8+s17+$0x0], $0xffff  }
0x147: {  	v49 =	vld.idx.msk [tilespmem:v11+s19+$0x0], $0xffff;
	v7 =	vadd.f32 v7, v10;
	v5 =	vmul.f32 v5, v9  }
0x148: {  	v51 =	vor.u32 $0x6, v4;
	v50 =	vld.idx.msk [tilespmem:v11+s17+$0x0], $0xffff  }
0x149: {  	v16 =	vld.idx.msk [tilespmem:v13+s19+$0x0], $0xffff;
	v6 =	vmul.f32 v12, v6;
	v5 =	vadd.f32 v5, v7  }
0x14a: {  	v53 =	vor.u32 $0x7, v4;
	v52 =	vld.idx.msk [tilespmem:v13+s17+$0x0], $0xffff  }
0x14b: {  	v54 =	vld.idx.msk [tilespmem:v15+s19+$0x0], $0xffff;
	v55 =	vmul.f32 v14, v8;
	v5 =	vadd.f32 v6, v5  }
0x14c: {  	v57 =	vor.u32 $0x8, v4;
	v56 =	vld.idx.msk [tilespmem:v15+s17+$0x0], $0xffff  }
0x14d: {  	v58 =	vld.idx.msk [tilespmem:v51+s19+$0x0], $0xffff;
	v59 =	vmul.f32 v49, v50;
	v5 =	vadd.f32 v55, v5  }
0x14e: {  	v61 =	vor.u32 $0x9, v4;
	v60 =	vld.idx.msk [tilespmem:v51+s17+$0x0], $0xffff  }
0x14f: {  	v62 =	vld.idx.msk [tilespmem:v53+s19+$0x0], $0xffff;
	v63 =	vmul.f32 v16, v52;
	v5 =	vadd.f32 v59, v5  }
0x150: {  	v21 =	vor.u32 $0xA, v4;
	v20 =	vld.idx.msk [tilespmem:v53+s17+$0x0], $0xffff  }
0x151: {  	v22 =	vld.idx.msk [tilespmem:v57+s19+$0x0], $0xffff;
	v23 =	vmul.f32 v54, v56;
	v5 =	vadd.f32 v63, v5  }
0x152: {  	v25 =	vor.u32 $0xB, v4;
	v24 =	vld.idx.msk [tilespmem:v57+s17+$0x0], $0xffff  }
0x153: {  	v26 =	vld.idx.msk [tilespmem:v61+s19+$0x0], $0xffff;
	v27 =	vmul.f32 v58, v60;
	v5 =	vadd.f32 v23, v5  }
0x154: {  	v29 =	vor.u32 $0xC, v4;
	v28 =	vld.idx.msk [tilespmem:v61+s17+$0x0], $0xffff  }
0x155: {  	v30 =	vld.idx.msk [tilespmem:v21+s19+$0x0], $0xffff;
	v31 =	vmul.f32 v62, v20;
	v5 =	vadd.f32 v27, v5  }
0x156: {  	v33 =	vor.u32 $0xD, v4;
	v32 =	vld.idx.msk [tilespmem:v21+s17+$0x0], $0xffff  }
0x157: {  	v34 =	vld.idx.msk [tilespmem:v25+s19+$0x0], $0xffff;
	v35 =	vmul.f32 v22, v24;
	v5 =	vadd.f32 v31, v5  }
0x158: {  	v37 =	vor.u32 $0xE, v4;
	v36 =	vld.idx.msk [tilespmem:v25+s17+$0x0], $0xffff  }
0x159: {  	v38 =	vld.idx.msk [tilespmem:v29+s19+$0x0], $0xffff;
	v39 =	vmul.f32 v26, v28;
	v5 =	vadd.f32 v35, v5  }
0x15a: {  	v40 =	vld.idx.msk [tilespmem:v29+s17+$0x0], $0xffff;
	v4 =	vor.u32 $0xF, v4  }
0x15b: {  	v41 =	vld.idx.msk [tilespmem:v33+s19+$0x0], $0xffff;
	v42 =	vmul.f32 v30, v32;
	v5 =	vadd.f32 v39, v5  }
0x15c: {  	v43 =	vld.idx.msk [tilespmem:v33+s17+$0x0], $0xffff  }
0x15d: {  	v44 =	vld.idx.msk [tilespmem:v37+s19+$0x0], $0xffff;
	v45 =	vmul.f32 v34, v36;
	v5 =	vadd.f32 v42, v5  }
0x15e: {  	v46 =	vld.idx.msk [tilespmem:v37+s17+$0x0], $0xffff  }
0x15f: {  	v47 =	vld.idx.msk [tilespmem:v4+s19+$0x0], $0xffff;
	v48 =	vmul.f32 v38, v40;
	v5 =	vadd.f32 v45, v5  }
0x160: {  	v4 =	vld.idx.msk [tilespmem:v4+s17+$0x0], $0xffff  }
0x161: {  	v49 =	vmul.f32 v41, v43;
	v5 =	vadd.f32 v48, v5;
	_ =	sdelay $0x1  }
0x162: {  	v50 =	vmul.f32 v44, v46;
	v5 =	vadd.f32 v49, v5;
	_ =	sdelay $0x1  }
0x163: {  	v4 =	vmul.f32 v47, v4;
	v5 =	vadd.f32 v50, v5;
	_ =	sdelay $0x1  }
0x164: {  	v4 =	vadd.f32 v4, v5;
	_ =	sdelay $0x1  }
0x165: {  	v4 =	vmul.f32 v4, v3;
	_ =	sdelay $0x1  }
0x166: {  	v4 =	vadd.f32 v4, v2;
	_ =	sdelay $0x1  }
0x167: {  	v4 =	vsub.f32 $0.0e+00, v4;
	_ =	sdelay $0x1  }
0x168: {  	v4 =	vmul.f32 $1.442695020e+00, v4;
	_ =	sdelay $0x1  }
0x169: {  	(erf) = vpow2.f32 v4;
	_ =	sdelay $0x8  }
0x16a: {  	v4 =	vpop (erf)  }
0x16b: {  	v4 =	vadd.f32 $1.000000000e+00, v4;
	_ =	sdelay $0x1  }
0x16c: {  	(erf) = vrcp.f32 v4;
	_ =	sdelay $0x3  }
0x16d: {  	v51 =	vmov s30  }
0x16e: {  	v4 =	vshll.u32 v51, $0x4  }
0x16f: {  	v4 =	vor.u32 v1, v4;
	_ =	sdelay $0x2  }
0x170: {  	v52 =	vpop (erf)  }
0x171: {  	v53 =	vor.u32 $0x1, v4;
	[tilespmem:s28+$0xFFFFFFF0] =	vst v52  }
0x172: {  	v5 =	vld.idx.msk [tilespmem:v4+s17+$0x0], $0xffff  }
0x173: {  	v55 =	vor.u32 $0x2, v4;
	v54 =	vld [tilespmem:s25+$0x0]  }
0x174: {  	v56 =	vld.idx.msk [tilespmem:v4+s19+$0x0], $0xffff  }
0x175: {  	v57 =	vor.u32 $0x3, v4;
	v58 =	vld [tilespmem:s26+$0x0]  }
0x176: {  	v59 =	vld.idx.msk [tilespmem:v53+s19+$0x0], $0xffff  }
0x177: {  	v60 =	vor.u32 $0x4, v4;
	v6 =	vld.idx.msk [tilespmem:v53+s17+$0x0], $0xffff  }
0x178: {  	v61 =	vld.idx.msk [tilespmem:v55+s19+$0x0], $0xffff  }
0x179: {  	v62 =	vor.u32 $0x5, v4;
	v8 =	vld.idx.msk [tilespmem:v55+s17+$0x0], $0xffff  }
0x17a: {  	v63 =	vld.idx.msk [tilespmem:v57+s19+$0x0], $0xffff;
	v7 =	vadd.f32 v58, v54;
	v5 =	vmul.f32 v56, v5  }
0x17b: {  	v19 =	vor.u32 $0x6, v4;
	v18 =	vld.idx.msk [tilespmem:v57+s17+$0x0], $0xffff  }
0x17c: {  	v20 =	vld.idx.msk [tilespmem:v60+s19+$0x0], $0xffff;
	v6 =	vmul.f32 v59, v6;
	v5 =	vadd.f32 v5, v7  }
0x17d: {  	v22 =	vor.u32 $0x7, v4;
	v21 =	vld.idx.msk [tilespmem:v60+s17+$0x0], $0xffff  }
0x17e: {  	v23 =	vld.idx.msk [tilespmem:v62+s19+$0x0], $0xffff;
	v24 =	vmul.f32 v61, v8;
	v5 =	vadd.f32 v6, v5  }
0x17f: {  	v26 =	vor.u32 $0x8, v4;
	v25 =	vld.idx.msk [tilespmem:v62+s17+$0x0], $0xffff  }
0x180: {  	v27 =	vld.idx.msk [tilespmem:v19+s19+$0x0], $0xffff;
	v28 =	vmul.f32 v63, v18;
	v5 =	vadd.f32 v24, v5  }
0x181: {  	v30 =	vor.u32 $0x9, v4;
	v29 =	vld.idx.msk [tilespmem:v19+s17+$0x0], $0xffff  }
0x182: {  	v31 =	vld.idx.msk [tilespmem:v22+s19+$0x0], $0xffff;
	v32 =	vmul.f32 v20, v21;
	v5 =	vadd.f32 v28, v5  }
0x183: {  	v34 =	vor.u32 $0xA, v4;
	v33 =	vld.idx.msk [tilespmem:v22+s17+$0x0], $0xffff  }
0x184: {  	v35 =	vld.idx.msk [tilespmem:v26+s19+$0x0], $0xffff;
	v36 =	vmul.f32 v23, v25;
	v5 =	vadd.f32 v32, v5  }
0x185: {  	v38 =	vor.u32 $0xB, v4;
	v37 =	vld.idx.msk [tilespmem:v26+s17+$0x0], $0xffff  }
0x186: {  	v39 =	vld.idx.msk [tilespmem:v30+s19+$0x0], $0xffff;
	v40 =	vmul.f32 v27, v29;
	v5 =	vadd.f32 v36, v5  }
0x187: {  	v42 =	vor.u32 $0xC, v4;
	v41 =	vld.idx.msk [tilespmem:v30+s17+$0x0], $0xffff  }
0x188: {  	v43 =	vld.idx.msk [tilespmem:v34+s19+$0x0], $0xffff;
	v44 =	vmul.f32 v31, v33;
	v5 =	vadd.f32 v40, v5  }
0x189: {  	v46 =	vor.u32 $0xD, v4;
	v45 =	vld.idx.msk [tilespmem:v34+s17+$0x0], $0xffff  }
0x18a: {  	v47 =	vld.idx.msk [tilespmem:v38+s19+$0x0], $0xffff;
	v48 =	vmul.f32 v35, v37;
	v5 =	vadd.f32 v44, v5  }
0x18b: {  	v50 =	vor.u32 $0xE, v4;
	v49 =	vld.idx.msk [tilespmem:v38+s17+$0x0], $0xffff  }
0x18c: {  	v51 =	vld.idx.msk [tilespmem:v42+s19+$0x0], $0xffff;
	v52 =	vmul.f32 v39, v41;
	v5 =	vadd.f32 v48, v5  }
0x18d: {  	v53 =	vld.idx.msk [tilespmem:v42+s17+$0x0], $0xffff;
	v4 =	vor.u32 $0xF, v4  }
0x18e: {  	v54 =	vld.idx.msk [tilespmem:v46+s19+$0x0], $0xffff;
	v55 =	vmul.f32 v43, v45;
	v5 =	vadd.f32 v52, v5  }
0x18f: {  	v56 =	vld.idx.msk [tilespmem:v46+s17+$0x0], $0xffff  }
0x190: {  	v57 =	vld.idx.msk [tilespmem:v50+s19+$0x0], $0xffff;
	v58 =	vmul.f32 v47, v49;
	v5 =	vadd.f32 v55, v5  }
0x191: {  	v59 =	vld.idx.msk [tilespmem:v50+s17+$0x0], $0xffff  }
0x192: {  	v60 =	vld.idx.msk [tilespmem:v4+s19+$0x0], $0xffff;
	v61 =	vmul.f32 v51, v53;
	v5 =	vadd.f32 v58, v5  }
0x193: {  	v4 =	vld.idx.msk [tilespmem:v4+s17+$0x0], $0xffff  }
0x194: {  	v62 =	vmul.f32 v54, v56;
	v5 =	vadd.f32 v61, v5;
	_ =	sdelay $0x1  }
0x195: {  	v63 =	vmul.f32 v57, v59;
	v5 =	vadd.f32 v62, v5;
	_ =	sdelay $0x1  }
0x196: {  	v4 =	vmul.f32 v60, v4;
	v5 =	vadd.f32 v63, v5;
	_ =	sdelay $0x1  }
0x197: {  	v4 =	vadd.f32 v4, v5;
	_ =	sdelay $0x1  }
0x198: {  	v3 =	vmul.f32 v4, v3;
	_ =	sdelay $0x1  }
0x199: {  	v2 =	vadd.f32 v3, v2;
	_ =	sdelay $0x1  }
0x19a: {  	v2 =	vsub.f32 $0.0e+00, v2;
	_ =	sdelay $0x1  }
0x19b: {  	v2 =	vmul.f32 $1.442695020e+00, v2;
	_ =	sdelay $0x1  }
0x19c: {  	(erf) = vpow2.f32 v2;
	_ =	sdelay $0x8  }
0x19d: {  	v2 =	vpop (erf)  }
0x19e: {  	v2 =	vadd.f32 $1.000000000e+00, v2;
	_ =	sdelay $0x1  }
0x19f: {  	(erf) = vrcp.f32 v2;
	_ =	sdelay $0x7  }
0x1a0: {  	s24 =	sadd.s32 $0x1, s24  }
0x1a1: {  	p0 =	sne.s32 s24, s11;
	v2 =	vpop (erf)  }
.Ltmp2:
0x1a2: {  	[tilespmem:s28+$0x0] =	vst v2;
	(pc) =	sbr.rel @p0 .LBB2_1-.Ltmp2, $4  }
0x1a3: {  	[hbm4b:s10+s1] =	stream.linear.scatter [tilespmem:s23], [sflag:$0x2], $0x200, $0x38;
	[tilespmem:$0x5A20] =	vst v63  }
0x1a4: {  	_ =	swait.ge [sflag:s12], $0x200  }
0x1a5: {  	[sflag:s12] =	ssyncset.done $0x0  }
0x1a6: {  	[sflag:s12] =	ssyncadd.s32 $0xFFFFFE00  }
0x1a7: {  	_ =	sfence.sel $0x180000  }
0x1a8: {  	[bflag:$0x0] =	sbarrier.arrive $0xFFFF  }
0x1a9: {  	_ =	strace $0x90000047  }
0x1aa: {  	[bflag:$0x2] =	sbarrier.arrive $0xFFFF  }
0x1ab: {  	p0 =	sne.s32 s4, $0x0;
	s0 =	rddreg [dreg:$0x2]  }
0x1ac: {  	s0 =	sadd.s32 @!p0 $0x100000, s0  }
0x1ad: {  	[sflag:s0] =	ssyncadd.tile.s32 @!p0 $0x1;
	_ =	shalt  }
.Lfunc_end2:
_tile_overlayer_lowered:
.L_overlay_start_2:
0x1ae: {  	(tag) =	ssettag $0x2  }
0x1af: {  	s0 =	rddreg [dreg:$0x0];
	s2 =	stileid.u32  }
0x1b0: {  	s1 =	rddreg [dreg:$0x1];
	p0 =	sne.s32 s2, $0x0  }
0x1b1: {  	s3 =	rddreg [dreg:$0x2];
	[bflag:$0x3] =	sbarrier.arrive $0xFFFF;
	s2 =	simm.s32 @!p0 $0x1C02  }
0x1b2: {  	[timem:s3], [sflag:s2] =	dma.local @!p0 [hbm:s0], s1  }
0x1b3: {  	s0 =	simm.s32 @!p0 $0x2  }
0x1b4: {  	_ =	swait.ge @!p0 [sflag:s0], s1  }
0x1b5: {  	s1 =	ssub.s32 @!p0 $0x0, s1;
	[sflag:s0] =	ssyncset.done @!p0 $0x0  }
0x1b6: {  	[sflag:s0] =	ssyncadd.s32 @!p0 s1  }
0x1b7: {  	[bflag:$0x3] =	sbarrier.arrive $0xFFFF  }
0x1b8: {  	_ =	shalt  }

</sc_bundles>
